<compile_context>
chip_gen: v7x
topology: tpu7x:2x2x1
jax: 0.10.2.dev20260603
libtpu: 0.0.44.dev20260713+nightly
codegen_flags: <defaults>
</compile_context>

<pallas_src>
import functools

import numpy as np

import jax
import jax.numpy as jnp
from jax import lax
from jax.experimental import pallas as pl
from jax.experimental.pallas import tpu as pltpu
from jax.experimental.pallas import tpu_sc as plsc

N = 10000
E = 320000
K = 64
F = 128

_NC = 2
_NS = 16
_L = 16
_NW = _NC * _NS
_CHUNK = 80
_ROWS_PER_TILE = 624
_TAIL = N - _NS * _ROWS_PER_TILE
_GBLK = 2560
_H1 = 163840
_H2 = E - _H1

_LO = np.concatenate([np.arange(32 * j, 32 * j + 16) for j in range(F // 32)])
_HI = _LO + 16


def _mm_bias_body(x_ref, w_ref, b_ref, o_ref):
    o_ref[...] = (
        jnp.dot(x_ref[...], w_ref[...], preferred_element_type=jnp.float32)
        + b_ref[...]
    )


def _mm_bias(x, w, b2d, blk):
    n = x.shape[0]
    return pl.pallas_call(
        _mm_bias_body,
        grid=(n // blk,),
        in_specs=[
            pl.BlockSpec((blk, x.shape[1]), lambda i: (i, 0)),
            pl.BlockSpec(w.shape, lambda i: (0, 0)),
            pl.BlockSpec((1, w.shape[1]), lambda i: (0, 0)),
        ],
        out_specs=pl.BlockSpec((blk, w.shape[1]), lambda i: (i, 0)),
        out_shape=jax.ShapeDtypeStruct((n, w.shape[1]), jnp.float32),
    )(x, w, b2d)


def _g_body(r_ref, wa_ref, wb_ref, o_ref):
    r = r_ref[...]
    ga = jnp.dot(r, wa_ref[...], preferred_element_type=jnp.float32)
    gb = jnp.dot(r, wb_ref[...], preferred_element_type=jnp.float32)
    ga16 = jax.lax.bitcast_convert_type(ga.astype(jnp.bfloat16), jnp.uint16)
    gb16 = jax.lax.bitcast_convert_type(gb.astype(jnp.bfloat16), jnp.uint16)
    o_ref[...] = (gb16.astype(jnp.int32) << 16) | ga16.astype(jnp.int32)


def _g_mm(rbf, wa, wb, off_rows, n_rows, blk=_GBLK):
    off_blk = off_rows // blk
    return pl.pallas_call(
        _g_body,
        grid=(n_rows // blk,),
        in_specs=[
            pl.BlockSpec((blk, K), lambda i: (i + off_blk, 0)),
            pl.BlockSpec((K, F // 2), lambda i: (0, 0)),
            pl.BlockSpec((K, F // 2), lambda i: (0, 0)),
        ],
        out_specs=pl.BlockSpec((blk, F // 2), lambda i: (i, 0)),
        out_shape=jax.ShapeDtypeStruct((n_rows, F // 2), jnp.int32),
    )(rbf, wa, wb)


def _epi_body(x_ref, xja_ref, xjb_ref, wi_ref, bi_ref,
              i0w1, i0b1, i0w2, i0b2, i1w1, i1b1, i1w2, i1b2,
              a0w1, a0b1, a0w2, a0b2, a1w1, a1b1, a1w2, a1b2,
              wd_ref, bd_ref, u_ref, o_ref):
    def mm(a, w):
        return jnp.dot(a, w[...], preferred_element_type=jnp.float32)

    def res(v, w1, b1, w2, b2):
        return v + mm(mm(v, w1) + b1[...], w2) + b2[...]

    x = x_ref[...]
    m = mm(x, wi_ref) + bi_ref[...] + xja_ref[...] + xjb_ref[...]
    m = res(m, i0w1, i0b1, i0w2, i0b2)
    m = res(m, i1w1, i1b1, i1w2, i1b2)
    out = u_ref[...] * x + mm(m, wd_ref) + bd_ref[...]
    out = res(out, a0w1, a0b1, a0w2, a0b2)
    out = res(out, a1w1, a1b1, a1w2, a1b2)
    o_ref[...] = out


def _epilogue(x, xj2, wi, bi2, rws, wd, bd2, u2, blk=2000):
    ng = N // blk
    row_spec = pl.BlockSpec((blk, F), lambda i: (i, 0))
    xjb_spec = pl.BlockSpec((blk, F), lambda i: (i + ng, 0))
    w_spec = pl.BlockSpec((F, F), lambda i: (0, 0))
    b_spec = pl.BlockSpec((1, F), lambda i: (0, 0))
    rw_specs = []
    for _ in range(4):
        rw_specs += [w_spec, b_spec, w_spec, b_spec]
    return pl.pallas_call(
        _epi_body,
        grid=(ng,),
        in_specs=[row_spec, row_spec, xjb_spec, w_spec, b_spec]
        + rw_specs + [w_spec, b_spec, b_spec],
        out_specs=row_spec,
        out_shape=jax.ShapeDtypeStruct((N, F), jnp.float32),
    )(x, xj2, xj2, wi, bi2, *rws, wd, bd2, u2)


def _sc_edge(g, xj_src, idx_i, idx_j, zrows, edge_off, cpt):
    mesh = plsc.VectorSubcoreMesh(core_axis_name="c", subcore_axis_name="s")

    @functools.partial(
        pl.kernel,
        out_type=jax.ShapeDtypeStruct((2 * N, F), jnp.float32),
        mesh=mesh,
        scratch_types=[
            pltpu.VMEM((_CHUNK,), jnp.int32),
            pltpu.VMEM((_CHUNK,), jnp.int32),
            pltpu.VMEM((_CHUNK,), jnp.int32),
            pltpu.VMEM((_CHUNK,), jnp.int32),
            pltpu.VMEM((_CHUNK, F), jnp.float32),
            pltpu.VMEM((_CHUNK, F), jnp.float32),
            pltpu.VMEM((_CHUNK, F // 2), jnp.int32),
            pltpu.VMEM((_CHUNK, F // 2), jnp.int32),
            pltpu.VMEM_SHARED((N, F), jnp.float32),
            pltpu.SemaphoreType.DMA,
            pltpu.SemaphoreType.DMA,
            pltpu.SemaphoreType.DMA,
            pltpu.SemaphoreType.DMA,
            pltpu.SemaphoreType.DMA,
            pltpu.SemaphoreType.DMA,
        ],
    )
    def k(g_hbm, xj_hbm, ii_hbm, ij_hbm, z_hbm, out_hbm,
          ij0, ij1, ii0, ii1, rows0, rows1, g0, g1, acc_sh,
          sl0, sl1, sg0, sg1, ss0, ss1):
        c = lax.axis_index("c")
        s = lax.axis_index("s")
        w = s * _NC + c
        bufs = ((ij0, ii0, rows0, g0, sl0, sg0, ss0),
                (ij1, ii1, rows1, g1, sl1, sg1, ss1))

        pltpu.sync_copy(
            z_hbm.at[pl.ds(0, _ROWS_PER_TILE)],
            acc_sh.at[pl.ds(s * _ROWS_PER_TILE, _ROWS_PER_TILE)],
        )

        @pl.when(s == _NS - 1)
        def _zero_tail():
            pltpu.sync_copy(
                z_hbm.at[pl.ds(0, _TAIL)],
                acc_sh.at[pl.ds(_NS * _ROWS_PER_TILE, _TAIL)],
            )

        plsc.subcore_barrier()

        def issue_linear(t, buf):
            ij_v, ii_v, _rows_v, g_v, sl, _sg, _ss = buf
            base = (w + t * _NW) * _CHUNK
            pltpu.async_copy(ij_hbm.at[pl.ds(edge_off + base, _CHUNK)], ij_v, sl)
            pltpu.async_copy(ii_hbm.at[pl.ds(edge_off + base, _CHUNK)], ii_v, sl)
            pltpu.async_copy(g_hbm.at[pl.ds(base, _CHUNK)], g_v, sl)

        def wait_linear_issue_gather(buf):
            ij_v, ii_v, rows_v, g_v, sl, sg, _ss = buf
            pltpu.make_async_copy(ij_hbm.at[pl.ds(0, _CHUNK)], ij_v, sl).wait()
            pltpu.make_async_copy(ii_hbm.at[pl.ds(0, _CHUNK)], ii_v, sl).wait()
            pltpu.make_async_copy(g_hbm.at[pl.ds(0, _CHUNK)], g_v, sl).wait()
            pltpu.async_copy(xj_hbm.at[ij_v], rows_v, sg)

        def wait_scatter(buf):
            ij_v, ii_v, rows_v, g_v, _sl, _sg, ss = buf
            pltpu.make_async_copy(rows_v, acc_sh.at[ii_v], ss).wait()

        def finish(t, buf):
            ij_v, ii_v, rows_v, g_v, _sl, sg, ss = buf
            pltpu.make_async_copy(xj_hbm.at[ij_v], rows_v, sg).wait()
            himask = jnp.int32(-65536)

            @plsc.parallel_loop(0, _CHUNK * (F // 32), unroll=8)
            def _mul(t2):
                e = t2 // (F // 32)
                j = lax.rem(t2, F // 32) * _L
                q = 2 * j
                gw = g_v[e, pl.ds(j, _L)]
                a = jax.lax.bitcast_convert_type(gw << 16, jnp.float32)
                b = jax.lax.bitcast_convert_type(gw & himask, jnp.float32)
                rows_v[e, pl.ds(q, _L)] = a * rows_v[e, pl.ds(q, _L)]
                rows_v[e, pl.ds(q + _L, _L)] = b * rows_v[e, pl.ds(q + _L, _L)]

            pltpu.async_copy(rows_v, acc_sh.at[ii_v], ss, add=True)

        issue_linear(jnp.int32(0), bufs[0])
        wait_linear_issue_gather(bufs[0])

        @pl.loop(0, (cpt - 1) // 2)
        def _pair(p):
            for b in range(2):
                t = 2 * p + b
                cur, nxt = bufs[b], bufs[1 - b]

                if b == 0:
                    @pl.when(t >= 1)
                    def _drain(nxt=nxt):
                        wait_scatter(nxt)
                else:
                    wait_scatter(nxt)

                issue_linear(t + 1, nxt)
                finish(t, cur)
                wait_linear_issue_gather(nxt)

        if cpt % 2 == 0:
            wait_scatter(bufs[1])
            issue_linear(jnp.int32(cpt - 1), bufs[1])
            finish(cpt - 2, bufs[0])
            wait_linear_issue_gather(bufs[1])
            wait_scatter(bufs[0])
            finish(cpt - 1, bufs[1])
            wait_scatter(bufs[1])
        else:
            wait_scatter(bufs[1])
            finish(cpt - 1, bufs[0])
            wait_scatter(bufs[0])
        plsc.subcore_barrier()
        pltpu.sync_copy(
            acc_sh.at[pl.ds(s * _ROWS_PER_TILE, _ROWS_PER_TILE)],
            out_hbm.at[pl.ds(c * N + s * _ROWS_PER_TILE, _ROWS_PER_TILE)],
        )

        @pl.when(s == _NS - 1)
        def _out_tail():
            pltpu.sync_copy(
                acc_sh.at[pl.ds(_NS * _ROWS_PER_TILE, _TAIL)],
                out_hbm.at[pl.ds(c * N + _NS * _ROWS_PER_TILE, _TAIL)],
            )

    return k(g, xj_src, idx_i, idx_j, zrows)


def kernel(x, rbf, idx_i, idx_j, Wk2f, Wi, bi, Wj, bj,
           i0_W1, i0_b1, i0_W2, i0_b2, i1_W1, i1_b1, i1_W2, i1_b2,
           a0_W1, a0_b1, a0_W2, a0_b2, a1_W1, a1_b1, a1_W2, a1_b2,
           Wd, bd, u):
    xj_src = _mm_bias(x, Wj, bj.reshape(1, F), blk=2000)
    ii = idx_i.astype(jnp.int32)
    ij = idx_j.astype(jnp.int32)
    zrows = jnp.zeros((_ROWS_PER_TILE, F), jnp.float32)
    wa = Wk2f[:, _LO]
    wb = Wk2f[:, _HI]
    g = _g_mm(rbf, wa, wb, 0, E)
    xj2 = _sc_edge(g, xj_src, ii, ij, zrows, 0, E // (_CHUNK * _NW))
    rws = (i0_W1, i0_b1.reshape(1, F), i0_W2, i0_b2.reshape(1, F),
           i1_W1, i1_b1.reshape(1, F), i1_W2, i1_b2.reshape(1, F),
           a0_W1, a0_b1.reshape(1, F), a0_W2, a0_b2.reshape(1, F),
           a1_W1, a1_b1.reshape(1, F), a1_W2, a1_b2.reshape(1, F))
    return _epilogue(x, xj2, Wi, bi.reshape(1, F), rws, Wd,
                     bd.reshape(1, F), u.reshape(1, F))

# --- scband reference (transcript-rebuilt; emitter-appended) ---
"""Pipeline reference for scband-interaction-block-85959475462758 (READ-ONLY COPY).

The authoritative reference and input builder live on the scoring server;
editing this copy changes nothing except your own understanding.
"""

import jax, jax.numpy as jnp
import numpy as np

N = 10000
E = 320000
K = 64
F = 128


def _lin(k, fan_in, fan_out):
    s = 1.0 / np.sqrt(fan_in)
    return jax.random.uniform(k, (fan_in, fan_out), jnp.float32, -s, s)


def setup_inputs(seed: int = 0):
    key = jax.random.key(seed)
    ks = jax.random.split(key, 16)
    inp = {}
    inp["x"] = jax.random.normal(ks[0], (N, F), dtype=jnp.float32)
    inp["rbf"] = jax.random.uniform(ks[1], (E, K), dtype=jnp.float32)
    inp["idx_i"] = jax.random.randint(ks[2], (E,), 0, N)
    inp["idx_j"] = jax.random.randint(ks[3], (E,), 0, N)
    inp["Wk2f"] = _lin(ks[4], K, F)
    inp["Wi"] = _lin(ks[5], F, F)
    inp["bi"] = jnp.zeros((F,), jnp.float32)
    inp["Wj"] = _lin(ks[6], F, F)
    inp["bj"] = jnp.zeros((F,), jnp.float32)
    idx = 7
    for n in ["i0", "i1", "a0", "a1"]:
        inp[f"{n}_W1"] = _lin(ks[idx], F, F); idx += 1
        inp[f"{n}_b1"] = jnp.zeros((F,), jnp.float32)
        inp[f"{n}_W2"] = _lin(ks[idx], F, F); idx += 1
        inp[f"{n}_b2"] = jnp.zeros((F,), jnp.float32)
    inp["Wd"] = _lin(ks[idx], F, F)
    inp["bd"] = jnp.zeros((F,), jnp.float32)
    inp["u"] = jnp.ones((F,), jnp.float32)
    return inp


def _residual(x, W1, b1, W2, b2):
    # PhysNet ResidualLayer with activation_fn=None, rate=0.0:
    # y = dense2(dense1(x)); return x + y
    y = x @ W1 + b1
    y = y @ W2 + b2
    return x + y


def reference(x, rbf, idx_i, idx_j, Wk2f, Wi, bi, Wj, bj,
              i0_W1, i0_b1, i0_W2, i0_b2, i1_W1, i1_b1, i1_W2, i1_b2,
              a0_W1, a0_b1, a0_W2, a0_b2, a1_W1, a1_b1, a1_W2, a1_b2,
              Wd, bd, u):
    # InteractionLayer (activation_fn=None -> identity, dropout rate 0)
    g = rbf @ Wk2f                                  # [E, F] rbf -> feature filter
    xi = x @ Wi + bi                                # [N, F] self message
    xj_src = x @ Wj + bj                            # [N, F] neighbor transform
    msg = g * jnp.take(xj_src, idx_j, axis=0)       # [E, F] gather + modulate
    xj = jax.ops.segment_sum(msg, idx_i, num_segments=x.shape[0])  # scatter-add
    m = xi + xj
    # num_residual_interaction = 2
    m = _residual(m, i0_W1, i0_b1, i0_W2, i0_b2)
    m = _residual(m, i1_W1, i1_b1, i1_W2, i1_b2)
    out = u * x + (m @ Wd + bd)                     # gated skip connection
    # num_residual_atomic = 2
    out = _residual(out, a0_W1, a0_b1, a0_W2, a0_b2)
    out = _residual(out, a1_W1, a1_b1, a1_W2, a1_b2)
    return out

if __name__ == "__main__":
    import jax
    _d = setup_inputs()
    print(jax.jit(kernel)(*tuple(_d.values())))

</pallas_src>

<mosaic_0001>
#map = affine_map<(d0, d1) -> (0, 0)>
#map1 = affine_map<(d0, d1) -> (0)>
module attributes {stable_mosaic.version = 14 : i64} {
  func.func @k(%arg0: i32, %arg1: i32, %arg2: memref<320000x64xi32, #tpu.memory_space<hbm>>, %arg3: memref<10000x128xf32, #tpu.memory_space<hbm>>, %arg4: memref<320000xi32, #tpu.memory_space<hbm>>, %arg5: memref<320000xi32, #tpu.memory_space<hbm>>, %arg6: memref<624x128xf32, #tpu.memory_space<hbm>>, %arg7: memref<20000x128xf32, #tpu.memory_space<hbm>>, %arg8: memref<80xi32, #tpu.memory_space<vmem>>, %arg9: memref<80xi32, #tpu.memory_space<vmem>>, %arg10: memref<80xi32, #tpu.memory_space<vmem>>, %arg11: memref<80xi32, #tpu.memory_space<vmem>>, %arg12: memref<80x128xf32, #tpu.memory_space<vmem>>, %arg13: memref<80x128xf32, #tpu.memory_space<vmem>>, %arg14: memref<80x64xi32, #tpu.memory_space<vmem>>, %arg15: memref<80x64xi32, #tpu.memory_space<vmem>>, %arg16: memref<10000x128xf32, #tpu.memory_space<vmem_shared>>, %arg17: memref<!tpu.dma_semaphore, #tpu.memory_space<semaphore_mem>>, %arg18: memref<!tpu.dma_semaphore, #tpu.memory_space<semaphore_mem>>, %arg19: memref<!tpu.dma_semaphore, #tpu.memory_space<semaphore_mem>>, %arg20: memref<!tpu.dma_semaphore, #tpu.memory_space<semaphore_mem>>, %arg21: memref<!tpu.dma_semaphore, #tpu.memory_space<semaphore_mem>>, %arg22: memref<!tpu.dma_semaphore, #tpu.memory_space<semaphore_mem>>) attributes {dimension_semantics = [#tpu.dimension_semantics<core_parallel>, #tpu.dimension_semantics<subcore_parallel>], iteration_bounds = array<i64: 2, 16>, scalar_prefetch = 0 : i64, scratch_operands = 15 : i64, tpu.core_type = #tpu.core_type<sc_vector_subcore>, window_params = [{transform_indices = #map}, {transform_indices = #map}, {transform_indices = #map1}, {transform_indices = #map1}, {transform_indices = #map}, {transform_indices = #map}]} {
    %mul3A = arith.constant 2 : i32
    %mul3A_0 = arith.muli %arg1, %mul3A : i32
    %add3A = arith.addi %mul3A_0, %arg0 : i32
    %mul3A_1 = arith.constant 624 : i32
    %mul3A_2 = arith.muli %arg1, %mul3A_1 : i32
    "tpu.region"() ({
      %run_scoped3A = tpu.sem_alloc : memref<!tpu.dma_semaphore, #tpu.memory_space<semaphore_mem>>
      %dma_start3A_70 = arith.constant 0 : i32
      %dma_start3A_71 = tpu.memref_slice %arg16[%mul3A_2, %dma_start3A_70] : memref<10000x128xf32, #tpu.memory_space<vmem_shared>> -> memref<624x128xf32, #tpu.memory_space<vmem_shared>>
      %dma_start3A_72 = arith.constant 0 : i32
      %dma_start3A_73 = arith.constant 0 : i32
      %dma_start3A_74 = tpu.memref_slice %arg6[%dma_start3A_72, %dma_start3A_73] : memref<624x128xf32, #tpu.memory_space<hbm>> -> memref<624x128xf32, #tpu.memory_space<hbm>>
      tpu.enqueue_dma source(%dma_start3A_74 : memref<624x128xf32, #tpu.memory_space<hbm>>) target(%dma_start3A_71 : memref<624x128xf32, #tpu.memory_space<vmem_shared>>) target_semaphore(%run_scoped3A : memref<!tpu.dma_semaphore, #tpu.memory_space<semaphore_mem>>)
      %dma_wait3A_75 = arith.constant 0 : i32
      %dma_wait3A_76 = tpu.memref_slice %arg16[%mul3A_2, %dma_wait3A_75] : memref<10000x128xf32, #tpu.memory_space<vmem_shared>> -> memref<624x128xf32, #tpu.memory_space<vmem_shared>>
      %dma_wait3A_77 = arith.constant 0 : i32
      %dma_wait3A_78 = arith.constant 0 : i32
      %dma_wait3A_79 = tpu.memref_slice %arg6[%dma_wait3A_77, %dma_wait3A_78] : memref<624x128xf32, #tpu.memory_space<hbm>> -> memref<624x128xf32, #tpu.memory_space<hbm>>
      tpu.wait_dma2 semaphore(%run_scoped3A : memref<!tpu.dma_semaphore, #tpu.memory_space<semaphore_mem>>) src(%dma_wait3A_79 : memref<624x128xf32, #tpu.memory_space<hbm>>) dst(%dma_wait3A_76 : memref<624x128xf32, #tpu.memory_space<vmem_shared>>)
      tpu.yield
    }) : () -> ()
    %eq3A = arith.constant 15 : i32
    %eq3A_3 = arith.cmpi eq, %arg1, %eq3A : i32
    %convert_element_type3A = arith.extui %eq3A_3 : i1 to i32
    %cond3A = arith.constant 0 : i32
    %cond3A_4 = arith.cmpi ne, %convert_element_type3A, %cond3A : i32
    scf.if %cond3A_4 {
      "tpu.region"() ({
        %run_scoped3A = tpu.sem_alloc : memref<!tpu.dma_semaphore, #tpu.memory_space<semaphore_mem>>
        %dma_start3A_70 = arith.constant 9984 : i32
        %dma_start3A_71 = arith.constant 0 : i32
        %dma_start3A_72 = tpu.memref_slice %arg16[%dma_start3A_70, %dma_start3A_71] : memref<10000x128xf32, #tpu.memory_space<vmem_shared>> -> memref<16x128xf32, #tpu.memory_space<vmem_shared>>
        %dma_start3A_73 = arith.constant 0 : i32
        %dma_start3A_74 = arith.constant 0 : i32
        %dma_start3A_75 = tpu.memref_slice %arg6[%dma_start3A_73, %dma_start3A_74] : memref<624x128xf32, #tpu.memory_space<hbm>> -> memref<16x128xf32, #tpu.memory_space<hbm>>
        tpu.enqueue_dma source(%dma_start3A_75 : memref<16x128xf32, #tpu.memory_space<hbm>>) target(%dma_start3A_72 : memref<16x128xf32, #tpu.memory_space<vmem_shared>>) target_semaphore(%run_scoped3A : memref<!tpu.dma_semaphore, #tpu.memory_space<semaphore_mem>>)
        %dma_wait3A_76 = arith.constant 9984 : i32
        %dma_wait3A_77 = arith.constant 0 : i32
        %dma_wait3A_78 = tpu.memref_slice %arg16[%dma_wait3A_76, %dma_wait3A_77] : memref<10000x128xf32, #tpu.memory_space<vmem_shared>> -> memref<16x128xf32, #tpu.memory_space<vmem_shared>>
        %dma_wait3A_79 = arith.constant 0 : i32
        %dma_wait3A_80 = arith.constant 0 : i32
        %dma_wait3A_81 = tpu.memref_slice %arg6[%dma_wait3A_79, %dma_wait3A_80] : memref<624x128xf32, #tpu.memory_space<hbm>> -> memref<16x128xf32, #tpu.memory_space<hbm>>
        tpu.wait_dma2 semaphore(%run_scoped3A : memref<!tpu.dma_semaphore, #tpu.memory_space<semaphore_mem>>) src(%dma_wait3A_81 : memref<16x128xf32, #tpu.memory_space<hbm>>) dst(%dma_wait3A_78 : memref<16x128xf32, #tpu.memory_space<vmem_shared>>)
        tpu.yield
      }) : () -> ()
    } else {
    }
    %barrier3A = arith.constant 0 : index
    tpu.barrier barrier_id(%barrier3A)
    %mul3A_5 = arith.constant 0 : i32
    %mul3A_6 = arith.constant 32 : i32
    %mul3A_7 = arith.muli %mul3A_5, %mul3A_6 : i32
    %add3A_8 = arith.addi %add3A, %mul3A_7 : i32
    %mul3A_9 = arith.constant 80 : i32
    %mul3A_10 = arith.muli %add3A_8, %mul3A_9 : i32
    %add3A_11 = arith.constant 0 : i32
    %add3A_12 = arith.addi %add3A_11, %mul3A_10 : i32
    %dma_start3A = tpu.memref_slice %arg5[%add3A_12] : memref<320000xi32, #tpu.memory_space<hbm>> -> memref<80xi32, #tpu.memory_space<hbm>>
    %dma_start3A_13 = tpu.memref_slice %arg5[%add3A_12] : memref<320000xi32, #tpu.memory_space<hbm>> -> memref<80xi32, #tpu.memory_space<hbm>>
    tpu.enqueue_dma source(%dma_start3A_13 : memref<80xi32, #tpu.memory_space<hbm>>) target(%arg8 : memref<80xi32, #tpu.memory_space<vmem>>) target_semaphore(%arg17 : memref<!tpu.dma_semaphore, #tpu.memory_space<semaphore_mem>>)
    %add3A_14 = arith.constant 0 : i32
    %add3A_15 = arith.addi %add3A_14, %mul3A_10 : i32
    %dma_start3A_16 = tpu.memref_slice %arg4[%add3A_15] : memref<320000xi32, #tpu.memory_space<hbm>> -> memref<80xi32, #tpu.memory_space<hbm>>
    %dma_start3A_17 = tpu.memref_slice %arg4[%add3A_15] : memref<320000xi32, #tpu.memory_space<hbm>> -> memref<80xi32, #tpu.memory_space<hbm>>
    tpu.enqueue_dma source(%dma_start3A_17 : memref<80xi32, #tpu.memory_space<hbm>>) target(%arg10 : memref<80xi32, #tpu.memory_space<vmem>>) target_semaphore(%arg17 : memref<!tpu.dma_semaphore, #tpu.memory_space<semaphore_mem>>)
    %dma_start3A_18 = arith.constant 0 : i32
    %dma_start3A_19 = tpu.memref_slice %arg2[%mul3A_10, %dma_start3A_18] : memref<320000x64xi32, #tpu.memory_space<hbm>> -> memref<80x64xi32, #tpu.memory_space<hbm>>
    %dma_start3A_20 = arith.constant 0 : i32
    %dma_start3A_21 = tpu.memref_slice %arg2[%mul3A_10, %dma_start3A_20] : memref<320000x64xi32, #tpu.memory_space<hbm>> -> memref<80x64xi32, #tpu.memory_space<hbm>>
    tpu.enqueue_dma source(%dma_start3A_21 : memref<80x64xi32, #tpu.memory_space<hbm>>) target(%arg14 : memref<80x64xi32, #tpu.memory_space<vmem>>) target_semaphore(%arg17 : memref<!tpu.dma_semaphore, #tpu.memory_space<semaphore_mem>>)
    %dma_wait3A = arith.constant 0 : i32
    %dma_wait3A_22 = tpu.memref_slice %arg5[%dma_wait3A] : memref<320000xi32, #tpu.memory_space<hbm>> -> memref<80xi32, #tpu.memory_space<hbm>>
    %dma_wait3A_23 = arith.constant 0 : i32
    %dma_wait3A_24 = tpu.memref_slice %arg5[%dma_wait3A_23] : memref<320000xi32, #tpu.memory_space<hbm>> -> memref<80xi32, #tpu.memory_space<hbm>>
    tpu.wait_dma2 semaphore(%arg17 : memref<!tpu.dma_semaphore, #tpu.memory_space<semaphore_mem>>) src(%dma_wait3A_24 : memref<80xi32, #tpu.memory_space<hbm>>) dst(%arg8 : memref<80xi32, #tpu.memory_space<vmem>>)
    %dma_wait3A_25 = arith.constant 0 : i32
    %dma_wait3A_26 = tpu.memref_slice %arg4[%dma_wait3A_25] : memref<320000xi32, #tpu.memory_space<hbm>> -> memref<80xi32, #tpu.memory_space<hbm>>
    %dma_wait3A_27 = arith.constant 0 : i32
    %dma_wait3A_28 = tpu.memref_slice %arg4[%dma_wait3A_27] : memref<320000xi32, #tpu.memory_space<hbm>> -> memref<80xi32, #tpu.memory_space<hbm>>
    tpu.wait_dma2 semaphore(%arg17 : memref<!tpu.dma_semaphore, #tpu.memory_space<semaphore_mem>>) src(%dma_wait3A_28 : memref<80xi32, #tpu.memory_space<hbm>>) dst(%arg10 : memref<80xi32, #tpu.memory_space<vmem>>)
    %dma_wait3A_29 = arith.constant 0 : i32
    %dma_wait3A_30 = arith.constant 0 : i32
    %dma_wait3A_31 = tpu.memref_slice %arg2[%dma_wait3A_29, %dma_wait3A_30] : memref<320000x64xi32, #tpu.memory_space<hbm>> -> memref<80x64xi32, #tpu.memory_space<hbm>>
    %dma_wait3A_32 = arith.constant 0 : i32
    %dma_wait3A_33 = arith.constant 0 : i32
    %dma_wait3A_34 = tpu.memref_slice %arg2[%dma_wait3A_32, %dma_wait3A_33] : memref<320000x64xi32, #tpu.memory_space<hbm>> -> memref<80x64xi32, #tpu.memory_space<hbm>>
    tpu.wait_dma2 semaphore(%arg17 : memref<!tpu.dma_semaphore, #tpu.memory_space<semaphore_mem>>) src(%dma_wait3A_34 : memref<80x64xi32, #tpu.memory_space<hbm>>) dst(%arg14 : memref<80x64xi32, #tpu.memory_space<vmem>>)
    %dma_start3A_35 = arith.constant 0 : i32
    %dma_start3A_36 = arith.constant 0 : i32
    %dma_start3A_37 = tpu.memref_slice %arg3[%dma_start3A_35, %dma_start3A_36] : memref<10000x128xf32, #tpu.memory_space<hbm>> -> memref<10000x128xf32, #tpu.memory_space<hbm>>
    tpu.enqueue_indirect_dma source(%dma_start3A_37 : memref<10000x128xf32, #tpu.memory_space<hbm>>) target(%arg12 : memref<80x128xf32, #tpu.memory_space<vmem>>) offsets(%arg8 : memref<80xi32, #tpu.memory_space<vmem>>) semaphore(%arg19 : memref<!tpu.dma_semaphore, #tpu.memory_space<semaphore_mem>>)
    %scan3A = arith.constant 0 : i32
    %scan3A_38 = arith.constant 62 : i32
    %scan3A_39 = arith.addi %scan3A, %scan3A_38 : i32
    %scan3A_40 = arith.constant 1 : i32
    scf.for %scan3A_70 = %scan3A to %scan3A_39 step %scan3A_40  : i32 {
      %mul3A_71 = arith.constant 1 : i32
      %mul3A_72 = arith.muli %scan3A_70, %mul3A_71 : i32
      %add3A_73 = arith.constant 0 : i32
      %add3A_74 = arith.addi %add3A_73, %mul3A_72 : i32
      %mul3A_75 = arith.constant 2 : i32
      %mul3A_76 = arith.muli %mul3A_75, %add3A_74 : i32
      %add3A_77 = arith.constant 0 : i32
      %add3A_78 = arith.addi %mul3A_76, %add3A_77 : i32
      %ge3A = arith.constant 1 : i32
      %ge3A_79 = arith.cmpi sge, %add3A_78, %ge3A : i32
      %convert_element_type3A_80 = arith.extui %ge3A_79 : i1 to i32
      %cond3A_81 = arith.constant 0 : i32
      %cond3A_82 = arith.cmpi ne, %convert_element_type3A_80, %cond3A_81 : i32
      scf.if %cond3A_82 {
        %dma_wait3A_182 = arith.constant 0 : i32
        %dma_wait3A_183 = arith.constant 0 : i32
        %dma_wait3A_184 = tpu.memref_slice %arg16[%dma_wait3A_182, %dma_wait3A_183] : memref<10000x128xf32, #tpu.memory_space<vmem_shared>> -> memref<10000x128xf32, #tpu.memory_space<vmem_shared>>
        tpu.wait_indirect_dma semaphore(%arg22 : memref<!tpu.dma_semaphore, #tpu.memory_space<semaphore_mem>>) src(%arg13 : memref<80x128xf32, #tpu.memory_space<vmem>>) dst(%dma_wait3A_184 : memref<10000x128xf32, #tpu.memory_space<vmem_shared>>)
      } else {
      }
      %add3A_83 = arith.constant 1 : i32
      %add3A_84 = arith.addi %add3A_78, %add3A_83 : i32
      %mul3A_85 = arith.constant 32 : i32
      %mul3A_86 = arith.muli %add3A_84, %mul3A_85 : i32
      %add3A_87 = arith.addi %add3A, %mul3A_86 : i32
      %mul3A_88 = arith.constant 80 : i32
      %mul3A_89 = arith.muli %add3A_87, %mul3A_88 : i32
      %add3A_90 = arith.constant 0 : i32
      %add3A_91 = arith.addi %add3A_90, %mul3A_89 : i32
      %dma_start3A_92 = tpu.memref_slice %arg5[%add3A_91] : memref<320000xi32, #tpu.memory_space<hbm>> -> memref<80xi32, #tpu.memory_space<hbm>>
      %dma_start3A_93 = tpu.memref_slice %arg5[%add3A_91] : memref<320000xi32, #tpu.memory_space<hbm>> -> memref<80xi32, #tpu.memory_space<hbm>>
      tpu.enqueue_dma source(%dma_start3A_93 : memref<80xi32, #tpu.memory_space<hbm>>) target(%arg9 : memref<80xi32, #tpu.memory_space<vmem>>) target_semaphore(%arg18 : memref<!tpu.dma_semaphore, #tpu.memory_space<semaphore_mem>>)
      %add3A_94 = arith.constant 0 : i32
      %add3A_95 = arith.addi %add3A_94, %mul3A_89 : i32
      %dma_start3A_96 = tpu.memref_slice %arg4[%add3A_95] : memref<320000xi32, #tpu.memory_space<hbm>> -> memref<80xi32, #tpu.memory_space<hbm>>
      %dma_start3A_97 = tpu.memref_slice %arg4[%add3A_95] : memref<320000xi32, #tpu.memory_space<hbm>> -> memref<80xi32, #tpu.memory_space<hbm>>
      tpu.enqueue_dma source(%dma_start3A_97 : memref<80xi32, #tpu.memory_space<hbm>>) target(%arg11 : memref<80xi32, #tpu.memory_space<vmem>>) target_semaphore(%arg18 : memref<!tpu.dma_semaphore, #tpu.memory_space<semaphore_mem>>)
      %dma_start3A_98 = arith.constant 0 : i32
      %dma_start3A_99 = tpu.memref_slice %arg2[%mul3A_89, %dma_start3A_98] : memref<320000x64xi32, #tpu.memory_space<hbm>> -> memref<80x64xi32, #tpu.memory_space<hbm>>
      %dma_start3A_100 = arith.constant 0 : i32
      %dma_start3A_101 = tpu.memref_slice %arg2[%mul3A_89, %dma_start3A_100] : memref<320000x64xi32, #tpu.memory_space<hbm>> -> memref<80x64xi32, #tpu.memory_space<hbm>>
      tpu.enqueue_dma source(%dma_start3A_101 : memref<80x64xi32, #tpu.memory_space<hbm>>) target(%arg15 : memref<80x64xi32, #tpu.memory_space<vmem>>) target_semaphore(%arg18 : memref<!tpu.dma_semaphore, #tpu.memory_space<semaphore_mem>>)
      %dma_wait3A_102 = arith.constant 0 : i32
      %dma_wait3A_103 = arith.constant 0 : i32
      %dma_wait3A_104 = tpu.memref_slice %arg3[%dma_wait3A_102, %dma_wait3A_103] : memref<10000x128xf32, #tpu.memory_space<hbm>> -> memref<10000x128xf32, #tpu.memory_space<hbm>>
      tpu.wait_indirect_dma semaphore(%arg19 : memref<!tpu.dma_semaphore, #tpu.memory_space<semaphore_mem>>) src(%dma_wait3A_104 : memref<10000x128xf32, #tpu.memory_space<hbm>>) dst(%arg12 : memref<80x128xf32, #tpu.memory_space<vmem>>)
      %parallel_loop3A_105 = arith.constant 0 : i32
      %parallel_loop3A_106 = arith.constant 320 : i32
      %parallel_loop3A_107 = arith.constant 1 : i32
      %parallel_loop3A_108 = arith.constant -65536 : i32
      scf.for %parallel_loop3A_182 = %parallel_loop3A_105 to %parallel_loop3A_106 step %parallel_loop3A_107  : i32 {
        %parallel_loop3A_183 = arith.constant 4 : i32
        %parallel_loop3A_184 = arith.divsi %parallel_loop3A_182, %parallel_loop3A_183 : i32
        %parallel_loop3A_185 = arith.constant 0 : i32
        %parallel_loop3A_186 = arith.cmpi sgt, %parallel_loop3A_182, %parallel_loop3A_185 : i32
        %parallel_loop3A_187 = arith.extui %parallel_loop3A_186 : i1 to i32
        %parallel_loop3A_188 = arith.constant 0 : i32
        %parallel_loop3A_189 = arith.cmpi slt, %parallel_loop3A_182, %parallel_loop3A_188 : i32
        %parallel_loop3A_190 = arith.extui %parallel_loop3A_189 : i1 to i32
        %parallel_loop3A_191 = arith.subi %parallel_loop3A_187, %parallel_loop3A_190 : i32
        %parallel_loop3A_192 = arith.constant 0 : i32
        %parallel_loop3A_193 = arith.cmpi sgt, %parallel_loop3A_183, %parallel_loop3A_192 : i32
        %parallel_loop3A_194 = arith.extui %parallel_loop3A_193 : i1 to i32
        %parallel_loop3A_195 = arith.constant 0 : i32
        %parallel_loop3A_196 = arith.cmpi slt, %parallel_loop3A_183, %parallel_loop3A_195 : i32
        %parallel_loop3A_197 = arith.extui %parallel_loop3A_196 : i1 to i32
        %parallel_loop3A_198 = arith.subi %parallel_loop3A_194, %parallel_loop3A_197 : i32
        %parallel_loop3A_199 = arith.cmpi ne, %parallel_loop3A_191, %parallel_loop3A_198 : i32
        %parallel_loop3A_200 = arith.remsi %parallel_loop3A_182, %parallel_loop3A_183 : i32
        %parallel_loop3A_201 = arith.constant 0 : i32
        %parallel_loop3A_202 = arith.cmpi ne, %parallel_loop3A_200, %parallel_loop3A_201 : i32
        %parallel_loop3A_203 = arith.andi %parallel_loop3A_199, %parallel_loop3A_202 : i1
        %parallel_loop3A_204 = arith.constant 1 : i32
        %parallel_loop3A_205 = arith.subi %parallel_loop3A_184, %parallel_loop3A_204 : i32
        %parallel_loop3A_206 = arith.select %parallel_loop3A_203, %parallel_loop3A_205, %parallel_loop3A_184 : i32
        %parallel_loop3A_207 = arith.constant 4 : i32
        %parallel_loop3A_208 = arith.remsi %parallel_loop3A_182, %parallel_loop3A_207 : i32
        %parallel_loop3A_209 = arith.constant 16 : i32
        %parallel_loop3A_210 = arith.muli %parallel_loop3A_208, %parallel_loop3A_209 : i32
        %parallel_loop3A_211 = arith.constant 2 : i32
        %parallel_loop3A_212 = arith.muli %parallel_loop3A_211, %parallel_loop3A_210 : i32
        %parallel_loop3A_213 = arith.index_cast %parallel_loop3A_206 : i32 to index
        %parallel_loop3A_214 = arith.index_cast %parallel_loop3A_210 : i32 to index
        %parallel_loop3A_215 = tpu.vector_load %arg14[%parallel_loop3A_213, %parallel_loop3A_214] {strides = array<i32>} : memref<80x64xi32, #tpu.memory_space<vmem>>, vector<1x16xi32>,
        %parallel_loop3A_216 = vector.shape_cast %parallel_loop3A_215 : vector<1x16xi32> to vector<16xi32>
        %parallel_loop3A_217 = arith.constant 16 : i32
        %parallel_loop3A_218 = vector.broadcast %parallel_loop3A_217 : i32 to vector<16xi32>
        %parallel_loop3A_219 = arith.shli %parallel_loop3A_216, %parallel_loop3A_218 : vector<16xi32>
        %parallel_loop3A_220 = tpu.bitcast %parallel_loop3A_219 : vector<16xi32> -> vector<16xf32>
        %parallel_loop3A_221 = vector.broadcast %parallel_loop3A_108 : i32 to vector<16xi32>
        %parallel_loop3A_222 = arith.andi %parallel_loop3A_216, %parallel_loop3A_221 : vector<16xi32>
        %parallel_loop3A_223 = tpu.bitcast %parallel_loop3A_222 : vector<16xi32> -> vector<16xf32>
        %parallel_loop3A_224 = arith.index_cast %parallel_loop3A_206 : i32 to index
        %parallel_loop3A_225 = arith.index_cast %parallel_loop3A_212 : i32 to index
        %parallel_loop3A_226 = tpu.vector_load %arg12[%parallel_loop3A_224, %parallel_loop3A_225] {strides = array<i32>} : memref<80x128xf32, #tpu.memory_space<vmem>>, vector<1x16xf32>,
        %parallel_loop3A_227 = vector.shape_cast %parallel_loop3A_226 : vector<1x16xf32> to vector<16xf32>
        %parallel_loop3A_228 = arith.mulf %parallel_loop3A_220, %parallel_loop3A_227 : vector<16xf32>
        %parallel_loop3A_229 = arith.index_cast %parallel_loop3A_206 : i32 to index
        %parallel_loop3A_230 = arith.index_cast %parallel_loop3A_212 : i32 to index
        %parallel_loop3A_231 = tpu.vector_load %arg12[%parallel_loop3A_229, %parallel_loop3A_230] {strides = array<i32>} : memref<80x128xf32, #tpu.memory_space<vmem>>, vector<1x16xf32>,
        %parallel_loop3A_232 = vector.shape_cast %parallel_loop3A_231 : vector<1x16xf32> to vector<16xf32>
        %parallel_loop3A_233 = vector.shape_cast %parallel_loop3A_228 : vector<16xf32> to vector<1x16xf32>
        tpu.vector_store %arg12[%parallel_loop3A_229, %parallel_loop3A_230], %parallel_loop3A_233 {strides = array<i32>} : memref<80x128xf32, #tpu.memory_space<vmem>>, vector<1x16xf32>,
        %parallel_loop3A_234 = arith.constant 16 : i32
        %parallel_loop3A_235 = arith.addi %parallel_loop3A_212, %parallel_loop3A_234 : i32
        %parallel_loop3A_236 = arith.index_cast %parallel_loop3A_206 : i32 to index
        %parallel_loop3A_237 = arith.index_cast %parallel_loop3A_235 : i32 to index
        %parallel_loop3A_238 = tpu.vector_load %arg12[%parallel_loop3A_236, %parallel_loop3A_237] {strides = array<i32>} : memref<80x128xf32, #tpu.memory_space<vmem>>, vector<1x16xf32>,
        %parallel_loop3A_239 = vector.shape_cast %parallel_loop3A_238 : vector<1x16xf32> to vector<16xf32>
        %parallel_loop3A_240 = arith.mulf %parallel_loop3A_223, %parallel_loop3A_239 : vector<16xf32>
        %parallel_loop3A_241 = arith.constant 16 : i32
        %parallel_loop3A_242 = arith.addi %parallel_loop3A_212, %parallel_loop3A_241 : i32
        %parallel_loop3A_243 = arith.index_cast %parallel_loop3A_206 : i32 to index
        %parallel_loop3A_244 = arith.index_cast %parallel_loop3A_242 : i32 to index
        %parallel_loop3A_245 = tpu.vector_load %arg12[%parallel_loop3A_243, %parallel_loop3A_244] {strides = array<i32>} : memref<80x128xf32, #tpu.memory_space<vmem>>, vector<1x16xf32>,
        %parallel_loop3A_246 = vector.shape_cast %parallel_loop3A_245 : vector<1x16xf32> to vector<16xf32>
        %parallel_loop3A_247 = vector.shape_cast %parallel_loop3A_240 : vector<16xf32> to vector<1x16xf32>
        tpu.vector_store %arg12[%parallel_loop3A_243, %parallel_loop3A_244], %parallel_loop3A_247 {strides = array<i32>} : memref<80x128xf32, #tpu.memory_space<vmem>>, vector<1x16xf32>,
      } {sc.loop_unroll_factor = 8 : i64, sc.parallel_access}
      %dma_start3A_109 = arith.constant 0 : i32
      %dma_start3A_110 = arith.constant 0 : i32
      %dma_start3A_111 = tpu.memref_slice %arg16[%dma_start3A_109, %dma_start3A_110] : memref<10000x128xf32, #tpu.memory_space<vmem_shared>> -> memref<10000x128xf32, #tpu.memory_space<vmem_shared>>
      tpu.enqueue_indirect_dma source(%arg12 : memref<80x128xf32, #tpu.memory_space<vmem>>) target(%dma_start3A_111 : memref<10000x128xf32, #tpu.memory_space<vmem_shared>>) offsets(%arg10 : memref<80xi32, #tpu.memory_space<vmem>>) semaphore(%arg21 : memref<!tpu.dma_semaphore, #tpu.memory_space<semaphore_mem>>) {add = true}
      %dma_wait3A_112 = arith.constant 0 : i32
      %dma_wait3A_113 = tpu.memref_slice %arg5[%dma_wait3A_112] : memref<320000xi32, #tpu.memory_space<hbm>> -> memref<80xi32, #tpu.memory_space<hbm>>
      %dma_wait3A_114 = arith.constant 0 : i32
      %dma_wait3A_115 = tpu.memref_slice %arg5[%dma_wait3A_114] : memref<320000xi32, #tpu.memory_space<hbm>> -> memref<80xi32, #tpu.memory_space<hbm>>
      tpu.wait_dma2 semaphore(%arg18 : memref<!tpu.dma_semaphore, #tpu.memory_space<semaphore_mem>>) src(%dma_wait3A_115 : memref<80xi32, #tpu.memory_space<hbm>>) dst(%arg9 : memref<80xi32, #tpu.memory_space<vmem>>)
      %dma_wait3A_116 = arith.constant 0 : i32
      %dma_wait3A_117 = tpu.memref_slice %arg4[%dma_wait3A_116] : memref<320000xi32, #tpu.memory_space<hbm>> -> memref<80xi32, #tpu.memory_space<hbm>>
      %dma_wait3A_118 = arith.constant 0 : i32
      %dma_wait3A_119 = tpu.memref_slice %arg4[%dma_wait3A_118] : memref<320000xi32, #tpu.memory_space<hbm>> -> memref<80xi32, #tpu.memory_space<hbm>>
      tpu.wait_dma2 semaphore(%arg18 : memref<!tpu.dma_semaphore, #tpu.memory_space<semaphore_mem>>) src(%dma_wait3A_119 : memref<80xi32, #tpu.memory_space<hbm>>) dst(%arg11 : memref<80xi32, #tpu.memory_space<vmem>>)
      %dma_wait3A_120 = arith.constant 0 : i32
      %dma_wait3A_121 = arith.constant 0 : i32
      %dma_wait3A_122 = tpu.memref_slice %arg2[%dma_wait3A_120, %dma_wait3A_121] : memref<320000x64xi32, #tpu.memory_space<hbm>> -> memref<80x64xi32, #tpu.memory_space<hbm>>
      %dma_wait3A_123 = arith.constant 0 : i32
      %dma_wait3A_124 = arith.constant 0 : i32
      %dma_wait3A_125 = tpu.memref_slice %arg2[%dma_wait3A_123, %dma_wait3A_124] : memref<320000x64xi32, #tpu.memory_space<hbm>> -> memref<80x64xi32, #tpu.memory_space<hbm>>
      tpu.wait_dma2 semaphore(%arg18 : memref<!tpu.dma_semaphore, #tpu.memory_space<semaphore_mem>>) src(%dma_wait3A_125 : memref<80x64xi32, #tpu.memory_space<hbm>>) dst(%arg15 : memref<80x64xi32, #tpu.memory_space<vmem>>)
      %dma_start3A_126 = arith.constant 0 : i32
      %dma_start3A_127 = arith.constant 0 : i32
      %dma_start3A_128 = tpu.memref_slice %arg3[%dma_start3A_126, %dma_start3A_127] : memref<10000x128xf32, #tpu.memory_space<hbm>> -> memref<10000x128xf32, #tpu.memory_space<hbm>>
      tpu.enqueue_indirect_dma source(%dma_start3A_128 : memref<10000x128xf32, #tpu.memory_space<hbm>>) target(%arg13 : memref<80x128xf32, #tpu.memory_space<vmem>>) offsets(%arg9 : memref<80xi32, #tpu.memory_space<vmem>>) semaphore(%arg20 : memref<!tpu.dma_semaphore, #tpu.memory_space<semaphore_mem>>)
      %mul3A_129 = arith.constant 2 : i32
      %mul3A_130 = arith.muli %mul3A_129, %add3A_74 : i32
      %add3A_131 = arith.constant 1 : i32
      %add3A_132 = arith.addi %mul3A_130, %add3A_131 : i32
      %dma_wait3A_133 = arith.constant 0 : i32
      %dma_wait3A_134 = arith.constant 0 : i32
      %dma_wait3A_135 = tpu.memref_slice %arg16[%dma_wait3A_133, %dma_wait3A_134] : memref<10000x128xf32, #tpu.memory_space<vmem_shared>> -> memref<10000x128xf32, #tpu.memory_space<vmem_shared>>
      tpu.wait_indirect_dma semaphore(%arg21 : memref<!tpu.dma_semaphore, #tpu.memory_space<semaphore_mem>>) src(%arg12 : memref<80x128xf32, #tpu.memory_space<vmem>>) dst(%dma_wait3A_135 : memref<10000x128xf32, #tpu.memory_space<vmem_shared>>)
      %add3A_136 = arith.constant 1 : i32
      %add3A_137 = arith.addi %add3A_132, %add3A_136 : i32
      %mul3A_138 = arith.constant 32 : i32
      %mul3A_139 = arith.muli %add3A_137, %mul3A_138 : i32
      %add3A_140 = arith.addi %add3A, %mul3A_139 : i32
      %mul3A_141 = arith.constant 80 : i32
      %mul3A_142 = arith.muli %add3A_140, %mul3A_141 : i32
      %add3A_143 = arith.constant 0 : i32
      %add3A_144 = arith.addi %add3A_143, %mul3A_142 : i32
      %dma_start3A_145 = tpu.memref_slice %arg5[%add3A_144] : memref<320000xi32, #tpu.memory_space<hbm>> -> memref<80xi32, #tpu.memory_space<hbm>>
      %dma_start3A_146 = tpu.memref_slice %arg5[%add3A_144] : memref<320000xi32, #tpu.memory_space<hbm>> -> memref<80xi32, #tpu.memory_space<hbm>>
      tpu.enqueue_dma source(%dma_start3A_146 : memref<80xi32, #tpu.memory_space<hbm>>) target(%arg8 : memref<80xi32, #tpu.memory_space<vmem>>) target_semaphore(%arg17 : memref<!tpu.dma_semaphore, #tpu.memory_space<semaphore_mem>>)
      %add3A_147 = arith.constant 0 : i32
      %add3A_148 = arith.addi %add3A_147, %mul3A_142 : i32
      %dma_start3A_149 = tpu.memref_slice %arg4[%add3A_148] : memref<320000xi32, #tpu.memory_space<hbm>> -> memref<80xi32, #tpu.memory_space<hbm>>
      %dma_start3A_150 = tpu.memref_slice %arg4[%add3A_148] : memref<320000xi32, #tpu.memory_space<hbm>> -> memref<80xi32, #tpu.memory_space<hbm>>
      tpu.enqueue_dma source(%dma_start3A_150 : memref<80xi32, #tpu.memory_space<hbm>>) target(%arg10 : memref<80xi32, #tpu.memory_space<vmem>>) target_semaphore(%arg17 : memref<!tpu.dma_semaphore, #tpu.memory_space<semaphore_mem>>)
      %dma_start3A_151 = arith.constant 0 : i32
      %dma_start3A_152 = tpu.memref_slice %arg2[%mul3A_142, %dma_start3A_151] : memref<320000x64xi32, #tpu.memory_space<hbm>> -> memref<80x64xi32, #tpu.memory_space<hbm>>
      %dma_start3A_153 = arith.constant 0 : i32
      %dma_start3A_154 = tpu.memref_slice %arg2[%mul3A_142, %dma_start3A_153] : memref<320000x64xi32, #tpu.memory_space<hbm>> -> memref<80x64xi32, #tpu.memory_space<hbm>>
      tpu.enqueue_dma source(%dma_start3A_154 : memref<80x64xi32, #tpu.memory_space<hbm>>) target(%arg14 : memref<80x64xi32, #tpu.memory_space<vmem>>) target_semaphore(%arg17 : memref<!tpu.dma_semaphore, #tpu.memory_space<semaphore_mem>>)
      %dma_wait3A_155 = arith.constant 0 : i32
      %dma_wait3A_156 = arith.constant 0 : i32
      %dma_wait3A_157 = tpu.memref_slice %arg3[%dma_wait3A_155, %dma_wait3A_156] : memref<10000x128xf32, #tpu.memory_space<hbm>> -> memref<10000x128xf32, #tpu.memory_space<hbm>>
      tpu.wait_indirect_dma semaphore(%arg20 : memref<!tpu.dma_semaphore, #tpu.memory_space<semaphore_mem>>) src(%dma_wait3A_157 : memref<10000x128xf32, #tpu.memory_space<hbm>>) dst(%arg13 : memref<80x128xf32, #tpu.memory_space<vmem>>)
      %parallel_loop3A_158 = arith.constant 0 : i32
      %parallel_loop3A_159 = arith.constant 320 : i32
      %parallel_loop3A_160 = arith.constant 1 : i32
      %parallel_loop3A_161 = arith.constant -65536 : i32
      scf.for %parallel_loop3A_182 = %parallel_loop3A_158 to %parallel_loop3A_159 step %parallel_loop3A_160  : i32 {
        %parallel_loop3A_183 = arith.constant 4 : i32
        %parallel_loop3A_184 = arith.divsi %parallel_loop3A_182, %parallel_loop3A_183 : i32
        %parallel_loop3A_185 = arith.constant 0 : i32
        %parallel_loop3A_186 = arith.cmpi sgt, %parallel_loop3A_182, %parallel_loop3A_185 : i32
        %parallel_loop3A_187 = arith.extui %parallel_loop3A_186 : i1 to i32
        %parallel_loop3A_188 = arith.constant 0 : i32
        %parallel_loop3A_189 = arith.cmpi slt, %parallel_loop3A_182, %parallel_loop3A_188 : i32
        %parallel_loop3A_190 = arith.extui %parallel_loop3A_189 : i1 to i32
        %parallel_loop3A_191 = arith.subi %parallel_loop3A_187, %parallel_loop3A_190 : i32
        %parallel_loop3A_192 = arith.constant 0 : i32
        %parallel_loop3A_193 = arith.cmpi sgt, %parallel_loop3A_183, %parallel_loop3A_192 : i32
        %parallel_loop3A_194 = arith.extui %parallel_loop3A_193 : i1 to i32
        %parallel_loop3A_195 = arith.constant 0 : i32
        %parallel_loop3A_196 = arith.cmpi slt, %parallel_loop3A_183, %parallel_loop3A_195 : i32
        %parallel_loop3A_197 = arith.extui %parallel_loop3A_196 : i1 to i32
        %parallel_loop3A_198 = arith.subi %parallel_loop3A_194, %parallel_loop3A_197 : i32
        %parallel_loop3A_199 = arith.cmpi ne, %parallel_loop3A_191, %parallel_loop3A_198 : i32
        %parallel_loop3A_200 = arith.remsi %parallel_loop3A_182, %parallel_loop3A_183 : i32
        %parallel_loop3A_201 = arith.constant 0 : i32
        %parallel_loop3A_202 = arith.cmpi ne, %parallel_loop3A_200, %parallel_loop3A_201 : i32
        %parallel_loop3A_203 = arith.andi %parallel_loop3A_199, %parallel_loop3A_202 : i1
        %parallel_loop3A_204 = arith.constant 1 : i32
        %parallel_loop3A_205 = arith.subi %parallel_loop3A_184, %parallel_loop3A_204 : i32
        %parallel_loop3A_206 = arith.select %parallel_loop3A_203, %parallel_loop3A_205, %parallel_loop3A_184 : i32
        %parallel_loop3A_207 = arith.constant 4 : i32
        %parallel_loop3A_208 = arith.remsi %parallel_loop3A_182, %parallel_loop3A_207 : i32
        %parallel_loop3A_209 = arith.constant 16 : i32
        %parallel_loop3A_210 = arith.muli %parallel_loop3A_208, %parallel_loop3A_209 : i32
        %parallel_loop3A_211 = arith.constant 2 : i32
        %parallel_loop3A_212 = arith.muli %parallel_loop3A_211, %parallel_loop3A_210 : i32
        %parallel_loop3A_213 = arith.index_cast %parallel_loop3A_206 : i32 to index
        %parallel_loop3A_214 = arith.index_cast %parallel_loop3A_210 : i32 to index
        %parallel_loop3A_215 = tpu.vector_load %arg15[%parallel_loop3A_213, %parallel_loop3A_214] {strides = array<i32>} : memref<80x64xi32, #tpu.memory_space<vmem>>, vector<1x16xi32>,
        %parallel_loop3A_216 = vector.shape_cast %parallel_loop3A_215 : vector<1x16xi32> to vector<16xi32>
        %parallel_loop3A_217 = arith.constant 16 : i32
        %parallel_loop3A_218 = vector.broadcast %parallel_loop3A_217 : i32 to vector<16xi32>
        %parallel_loop3A_219 = arith.shli %parallel_loop3A_216, %parallel_loop3A_218 : vector<16xi32>
        %parallel_loop3A_220 = tpu.bitcast %parallel_loop3A_219 : vector<16xi32> -> vector<16xf32>
        %parallel_loop3A_221 = vector.broadcast %parallel_loop3A_161 : i32 to vector<16xi32>
        %parallel_loop3A_222 = arith.andi %parallel_loop3A_216, %parallel_loop3A_221 : vector<16xi32>
        %parallel_loop3A_223 = tpu.bitcast %parallel_loop3A_222 : vector<16xi32> -> vector<16xf32>
        %parallel_loop3A_224 = arith.index_cast %parallel_loop3A_206 : i32 to index
        %parallel_loop3A_225 = arith.index_cast %parallel_loop3A_212 : i32 to index
        %parallel_loop3A_226 = tpu.vector_load %arg13[%parallel_loop3A_224, %parallel_loop3A_225] {strides = array<i32>} : memref<80x128xf32, #tpu.memory_space<vmem>>, vector<1x16xf32>,
        %parallel_loop3A_227 = vector.shape_cast %parallel_loop3A_226 : vector<1x16xf32> to vector<16xf32>
        %parallel_loop3A_228 = arith.mulf %parallel_loop3A_220, %parallel_loop3A_227 : vector<16xf32>
        %parallel_loop3A_229 = arith.index_cast %parallel_loop3A_206 : i32 to index
        %parallel_loop3A_230 = arith.index_cast %parallel_loop3A_212 : i32 to index
        %parallel_loop3A_231 = tpu.vector_load %arg13[%parallel_loop3A_229, %parallel_loop3A_230] {strides = array<i32>} : memref<80x128xf32, #tpu.memory_space<vmem>>, vector<1x16xf32>,
        %parallel_loop3A_232 = vector.shape_cast %parallel_loop3A_231 : vector<1x16xf32> to vector<16xf32>
        %parallel_loop3A_233 = vector.shape_cast %parallel_loop3A_228 : vector<16xf32> to vector<1x16xf32>
        tpu.vector_store %arg13[%parallel_loop3A_229, %parallel_loop3A_230], %parallel_loop3A_233 {strides = array<i32>} : memref<80x128xf32, #tpu.memory_space<vmem>>, vector<1x16xf32>,
        %parallel_loop3A_234 = arith.constant 16 : i32
        %parallel_loop3A_235 = arith.addi %parallel_loop3A_212, %parallel_loop3A_234 : i32
        %parallel_loop3A_236 = arith.index_cast %parallel_loop3A_206 : i32 to index
        %parallel_loop3A_237 = arith.index_cast %parallel_loop3A_235 : i32 to index
        %parallel_loop3A_238 = tpu.vector_load %arg13[%parallel_loop3A_236, %parallel_loop3A_237] {strides = array<i32>} : memref<80x128xf32, #tpu.memory_space<vmem>>, vector<1x16xf32>,
        %parallel_loop3A_239 = vector.shape_cast %parallel_loop3A_238 : vector<1x16xf32> to vector<16xf32>
        %parallel_loop3A_240 = arith.mulf %parallel_loop3A_223, %parallel_loop3A_239 : vector<16xf32>
        %parallel_loop3A_241 = arith.constant 16 : i32
        %parallel_loop3A_242 = arith.addi %parallel_loop3A_212, %parallel_loop3A_241 : i32
        %parallel_loop3A_243 = arith.index_cast %parallel_loop3A_206 : i32 to index
        %parallel_loop3A_244 = arith.index_cast %parallel_loop3A_242 : i32 to index
        %parallel_loop3A_245 = tpu.vector_load %arg13[%parallel_loop3A_243, %parallel_loop3A_244] {strides = array<i32>} : memref<80x128xf32, #tpu.memory_space<vmem>>, vector<1x16xf32>,
        %parallel_loop3A_246 = vector.shape_cast %parallel_loop3A_245 : vector<1x16xf32> to vector<16xf32>
        %parallel_loop3A_247 = vector.shape_cast %parallel_loop3A_240 : vector<16xf32> to vector<1x16xf32>
        tpu.vector_store %arg13[%parallel_loop3A_243, %parallel_loop3A_244], %parallel_loop3A_247 {strides = array<i32>} : memref<80x128xf32, #tpu.memory_space<vmem>>, vector<1x16xf32>,
      } {sc.loop_unroll_factor = 8 : i64, sc.parallel_access}
      %dma_start3A_162 = arith.constant 0 : i32
      %dma_start3A_163 = arith.constant 0 : i32
      %dma_start3A_164 = tpu.memref_slice %arg16[%dma_start3A_162, %dma_start3A_163] : memref<10000x128xf32, #tpu.memory_space<vmem_shared>> -> memref<10000x128xf32, #tpu.memory_space<vmem_shared>>
      tpu.enqueue_indirect_dma source(%arg13 : memref<80x128xf32, #tpu.memory_space<vmem>>) target(%dma_start3A_164 : memref<10000x128xf32, #tpu.memory_space<vmem_shared>>) offsets(%arg11 : memref<80xi32, #tpu.memory_space<vmem>>) semaphore(%arg22 : memref<!tpu.dma_semaphore, #tpu.memory_space<semaphore_mem>>) {add = true}
      %dma_wait3A_165 = arith.constant 0 : i32
      %dma_wait3A_166 = tpu.memref_slice %arg5[%dma_wait3A_165] : memref<320000xi32, #tpu.memory_space<hbm>> -> memref<80xi32, #tpu.memory_space<hbm>>
      %dma_wait3A_167 = arith.constant 0 : i32
      %dma_wait3A_168 = tpu.memref_slice %arg5[%dma_wait3A_167] : memref<320000xi32, #tpu.memory_space<hbm>> -> memref<80xi32, #tpu.memory_space<hbm>>
      tpu.wait_dma2 semaphore(%arg17 : memref<!tpu.dma_semaphore, #tpu.memory_space<semaphore_mem>>) src(%dma_wait3A_168 : memref<80xi32, #tpu.memory_space<hbm>>) dst(%arg8 : memref<80xi32, #tpu.memory_space<vmem>>)
      %dma_wait3A_169 = arith.constant 0 : i32
      %dma_wait3A_170 = tpu.memref_slice %arg4[%dma_wait3A_169] : memref<320000xi32, #tpu.memory_space<hbm>> -> memref<80xi32, #tpu.memory_space<hbm>>
      %dma_wait3A_171 = arith.constant 0 : i32
      %dma_wait3A_172 = tpu.memref_slice %arg4[%dma_wait3A_171] : memref<320000xi32, #tpu.memory_space<hbm>> -> memref<80xi32, #tpu.memory_space<hbm>>
      tpu.wait_dma2 semaphore(%arg17 : memref<!tpu.dma_semaphore, #tpu.memory_space<semaphore_mem>>) src(%dma_wait3A_172 : memref<80xi32, #tpu.memory_space<hbm>>) dst(%arg10 : memref<80xi32, #tpu.memory_space<vmem>>)
      %dma_wait3A_173 = arith.constant 0 : i32
      %dma_wait3A_174 = arith.constant 0 : i32
      %dma_wait3A_175 = tpu.memref_slice %arg2[%dma_wait3A_173, %dma_wait3A_174] : memref<320000x64xi32, #tpu.memory_space<hbm>> -> memref<80x64xi32, #tpu.memory_space<hbm>>
      %dma_wait3A_176 = arith.constant 0 : i32
      %dma_wait3A_177 = arith.constant 0 : i32
      %dma_wait3A_178 = tpu.memref_slice %arg2[%dma_wait3A_176, %dma_wait3A_177] : memref<320000x64xi32, #tpu.memory_space<hbm>> -> memref<80x64xi32, #tpu.memory_space<hbm>>
      tpu.wait_dma2 semaphore(%arg17 : memref<!tpu.dma_semaphore, #tpu.memory_space<semaphore_mem>>) src(%dma_wait3A_178 : memref<80x64xi32, #tpu.memory_space<hbm>>) dst(%arg14 : memref<80x64xi32, #tpu.memory_space<vmem>>)
      %dma_start3A_179 = arith.constant 0 : i32
      %dma_start3A_180 = arith.constant 0 : i32
      %dma_start3A_181 = tpu.memref_slice %arg3[%dma_start3A_179, %dma_start3A_180] : memref<10000x128xf32, #tpu.memory_space<hbm>> -> memref<10000x128xf32, #tpu.memory_space<hbm>>
      tpu.enqueue_indirect_dma source(%dma_start3A_181 : memref<10000x128xf32, #tpu.memory_space<hbm>>) target(%arg12 : memref<80x128xf32, #tpu.memory_space<vmem>>) offsets(%arg8 : memref<80xi32, #tpu.memory_space<vmem>>) semaphore(%arg19 : memref<!tpu.dma_semaphore, #tpu.memory_space<semaphore_mem>>)
    }
    %scan3A_41 = arith.constant 62 : i32
    %dma_wait3A_42 = arith.constant 0 : i32
    %dma_wait3A_43 = arith.constant 0 : i32
    %dma_wait3A_44 = tpu.memref_slice %arg16[%dma_wait3A_42, %dma_wait3A_43] : memref<10000x128xf32, #tpu.memory_space<vmem_shared>> -> memref<10000x128xf32, #tpu.memory_space<vmem_shared>>
    tpu.wait_indirect_dma semaphore(%arg22 : memref<!tpu.dma_semaphore, #tpu.memory_space<semaphore_mem>>) src(%arg13 : memref<80x128xf32, #tpu.memory_space<vmem>>) dst(%dma_wait3A_44 : memref<10000x128xf32, #tpu.memory_space<vmem_shared>>)
    %dma_wait3A_45 = arith.constant 0 : i32
    %dma_wait3A_46 = arith.constant 0 : i32
    %dma_wait3A_47 = tpu.memref_slice %arg3[%dma_wait3A_45, %dma_wait3A_46] : memref<10000x128xf32, #tpu.memory_space<hbm>> -> memref<10000x128xf32, #tpu.memory_space<hbm>>
    tpu.wait_indirect_dma semaphore(%arg19 : memref<!tpu.dma_semaphore, #tpu.memory_space<semaphore_mem>>) src(%dma_wait3A_47 : memref<10000x128xf32, #tpu.memory_space<hbm>>) dst(%arg12 : memref<80x128xf32, #tpu.memory_space<vmem>>)
    %parallel_loop3A = arith.constant 0 : i32
    %parallel_loop3A_48 = arith.constant 320 : i32
    %parallel_loop3A_49 = arith.constant 1 : i32
    %parallel_loop3A_50 = arith.constant -65536 : i32
    scf.for %parallel_loop3A_70 = %parallel_loop3A to %parallel_loop3A_48 step %parallel_loop3A_49  : i32 {
      %parallel_loop3A_71 = arith.constant 4 : i32
      %parallel_loop3A_72 = arith.divsi %parallel_loop3A_70, %parallel_loop3A_71 : i32
      %parallel_loop3A_73 = arith.constant 0 : i32
      %parallel_loop3A_74 = arith.cmpi sgt, %parallel_loop3A_70, %parallel_loop3A_73 : i32
      %parallel_loop3A_75 = arith.extui %parallel_loop3A_74 : i1 to i32
      %parallel_loop3A_76 = arith.constant 0 : i32
      %parallel_loop3A_77 = arith.cmpi slt, %parallel_loop3A_70, %parallel_loop3A_76 : i32
      %parallel_loop3A_78 = arith.extui %parallel_loop3A_77 : i1 to i32
      %parallel_loop3A_79 = arith.subi %parallel_loop3A_75, %parallel_loop3A_78 : i32
      %parallel_loop3A_80 = arith.constant 0 : i32
      %parallel_loop3A_81 = arith.cmpi sgt, %parallel_loop3A_71, %parallel_loop3A_80 : i32
      %parallel_loop3A_82 = arith.extui %parallel_loop3A_81 : i1 to i32
      %parallel_loop3A_83 = arith.constant 0 : i32
      %parallel_loop3A_84 = arith.cmpi slt, %parallel_loop3A_71, %parallel_loop3A_83 : i32
      %parallel_loop3A_85 = arith.extui %parallel_loop3A_84 : i1 to i32
      %parallel_loop3A_86 = arith.subi %parallel_loop3A_82, %parallel_loop3A_85 : i32
      %parallel_loop3A_87 = arith.cmpi ne, %parallel_loop3A_79, %parallel_loop3A_86 : i32
      %parallel_loop3A_88 = arith.remsi %parallel_loop3A_70, %parallel_loop3A_71 : i32
      %parallel_loop3A_89 = arith.constant 0 : i32
      %parallel_loop3A_90 = arith.cmpi ne, %parallel_loop3A_88, %parallel_loop3A_89 : i32
      %parallel_loop3A_91 = arith.andi %parallel_loop3A_87, %parallel_loop3A_90 : i1
      %parallel_loop3A_92 = arith.constant 1 : i32
      %parallel_loop3A_93 = arith.subi %parallel_loop3A_72, %parallel_loop3A_92 : i32
      %parallel_loop3A_94 = arith.select %parallel_loop3A_91, %parallel_loop3A_93, %parallel_loop3A_72 : i32
      %parallel_loop3A_95 = arith.constant 4 : i32
      %parallel_loop3A_96 = arith.remsi %parallel_loop3A_70, %parallel_loop3A_95 : i32
      %parallel_loop3A_97 = arith.constant 16 : i32
      %parallel_loop3A_98 = arith.muli %parallel_loop3A_96, %parallel_loop3A_97 : i32
      %parallel_loop3A_99 = arith.constant 2 : i32
      %parallel_loop3A_100 = arith.muli %parallel_loop3A_99, %parallel_loop3A_98 : i32
      %parallel_loop3A_101 = arith.index_cast %parallel_loop3A_94 : i32 to index
      %parallel_loop3A_102 = arith.index_cast %parallel_loop3A_98 : i32 to index
      %parallel_loop3A_103 = tpu.vector_load %arg14[%parallel_loop3A_101, %parallel_loop3A_102] {strides = array<i32>} : memref<80x64xi32, #tpu.memory_space<vmem>>, vector<1x16xi32>,
      %parallel_loop3A_104 = vector.shape_cast %parallel_loop3A_103 : vector<1x16xi32> to vector<16xi32>
      %parallel_loop3A_105 = arith.constant 16 : i32
      %parallel_loop3A_106 = vector.broadcast %parallel_loop3A_105 : i32 to vector<16xi32>
      %parallel_loop3A_107 = arith.shli %parallel_loop3A_104, %parallel_loop3A_106 : vector<16xi32>
      %parallel_loop3A_108 = tpu.bitcast %parallel_loop3A_107 : vector<16xi32> -> vector<16xf32>
      %parallel_loop3A_109 = vector.broadcast %parallel_loop3A_50 : i32 to vector<16xi32>
      %parallel_loop3A_110 = arith.andi %parallel_loop3A_104, %parallel_loop3A_109 : vector<16xi32>
      %parallel_loop3A_111 = tpu.bitcast %parallel_loop3A_110 : vector<16xi32> -> vector<16xf32>
      %parallel_loop3A_112 = arith.index_cast %parallel_loop3A_94 : i32 to index
      %parallel_loop3A_113 = arith.index_cast %parallel_loop3A_100 : i32 to index
      %parallel_loop3A_114 = tpu.vector_load %arg12[%parallel_loop3A_112, %parallel_loop3A_113] {strides = array<i32>} : memref<80x128xf32, #tpu.memory_space<vmem>>, vector<1x16xf32>,
      %parallel_loop3A_115 = vector.shape_cast %parallel_loop3A_114 : vector<1x16xf32> to vector<16xf32>
      %parallel_loop3A_116 = arith.mulf %parallel_loop3A_108, %parallel_loop3A_115 : vector<16xf32>
      %parallel_loop3A_117 = arith.index_cast %parallel_loop3A_94 : i32 to index
      %parallel_loop3A_118 = arith.index_cast %parallel_loop3A_100 : i32 to index
      %parallel_loop3A_119 = tpu.vector_load %arg12[%parallel_loop3A_117, %parallel_loop3A_118] {strides = array<i32>} : memref<80x128xf32, #tpu.memory_space<vmem>>, vector<1x16xf32>,
      %parallel_loop3A_120 = vector.shape_cast %parallel_loop3A_119 : vector<1x16xf32> to vector<16xf32>
      %parallel_loop3A_121 = vector.shape_cast %parallel_loop3A_116 : vector<16xf32> to vector<1x16xf32>
      tpu.vector_store %arg12[%parallel_loop3A_117, %parallel_loop3A_118], %parallel_loop3A_121 {strides = array<i32>} : memref<80x128xf32, #tpu.memory_space<vmem>>, vector<1x16xf32>,
      %parallel_loop3A_122 = arith.constant 16 : i32
      %parallel_loop3A_123 = arith.addi %parallel_loop3A_100, %parallel_loop3A_122 : i32
      %parallel_loop3A_124 = arith.index_cast %parallel_loop3A_94 : i32 to index
      %parallel_loop3A_125 = arith.index_cast %parallel_loop3A_123 : i32 to index
      %parallel_loop3A_126 = tpu.vector_load %arg12[%parallel_loop3A_124, %parallel_loop3A_125] {strides = array<i32>} : memref<80x128xf32, #tpu.memory_space<vmem>>, vector<1x16xf32>,
      %parallel_loop3A_127 = vector.shape_cast %parallel_loop3A_126 : vector<1x16xf32> to vector<16xf32>
      %parallel_loop3A_128 = arith.mulf %parallel_loop3A_111, %parallel_loop3A_127 : vector<16xf32>
      %parallel_loop3A_129 = arith.constant 16 : i32
      %parallel_loop3A_130 = arith.addi %parallel_loop3A_100, %parallel_loop3A_129 : i32
      %parallel_loop3A_131 = arith.index_cast %parallel_loop3A_94 : i32 to index
      %parallel_loop3A_132 = arith.index_cast %parallel_loop3A_130 : i32 to index
      %parallel_loop3A_133 = tpu.vector_load %arg12[%parallel_loop3A_131, %parallel_loop3A_132] {strides = array<i32>} : memref<80x128xf32, #tpu.memory_space<vmem>>, vector<1x16xf32>,
      %parallel_loop3A_134 = vector.shape_cast %parallel_loop3A_133 : vector<1x16xf32> to vector<16xf32>
      %parallel_loop3A_135 = vector.shape_cast %parallel_loop3A_128 : vector<16xf32> to vector<1x16xf32>
      tpu.vector_store %arg12[%parallel_loop3A_131, %parallel_loop3A_132], %parallel_loop3A_135 {strides = array<i32>} : memref<80x128xf32, #tpu.memory_space<vmem>>, vector<1x16xf32>,
    } {sc.loop_unroll_factor = 8 : i64, sc.parallel_access}
    %dma_start3A_51 = arith.constant 0 : i32
    %dma_start3A_52 = arith.constant 0 : i32
    %dma_start3A_53 = tpu.memref_slice %arg16[%dma_start3A_51, %dma_start3A_52] : memref<10000x128xf32, #tpu.memory_space<vmem_shared>> -> memref<10000x128xf32, #tpu.memory_space<vmem_shared>>
    tpu.enqueue_indirect_dma source(%arg12 : memref<80x128xf32, #tpu.memory_space<vmem>>) target(%dma_start3A_53 : memref<10000x128xf32, #tpu.memory_space<vmem_shared>>) offsets(%arg10 : memref<80xi32, #tpu.memory_space<vmem>>) semaphore(%arg21 : memref<!tpu.dma_semaphore, #tpu.memory_space<semaphore_mem>>) {add = true}
    %dma_wait3A_54 = arith.constant 0 : i32
    %dma_wait3A_55 = arith.constant 0 : i32
    %dma_wait3A_56 = tpu.memref_slice %arg16[%dma_wait3A_54, %dma_wait3A_55] : memref<10000x128xf32, #tpu.memory_space<vmem_shared>> -> memref<10000x128xf32, #tpu.memory_space<vmem_shared>>
    tpu.wait_indirect_dma semaphore(%arg21 : memref<!tpu.dma_semaphore, #tpu.memory_space<semaphore_mem>>) src(%arg12 : memref<80x128xf32, #tpu.memory_space<vmem>>) dst(%dma_wait3A_56 : memref<10000x128xf32, #tpu.memory_space<vmem_shared>>)
    %barrier3A_57 = arith.constant 0 : index
    tpu.barrier barrier_id(%barrier3A_57)
    %mul3A_58 = arith.constant 624 : i32
    %mul3A_59 = arith.muli %arg1, %mul3A_58 : i32
    %mul3A_60 = arith.constant 10000 : i32
    %mul3A_61 = arith.muli %arg0, %mul3A_60 : i32
    %mul3A_62 = arith.constant 624 : i32
    %mul3A_63 = arith.muli %arg1, %mul3A_62 : i32
    %add3A_64 = arith.addi %mul3A_61, %mul3A_63 : i32
    "tpu.region"() ({
      %run_scoped3A = tpu.sem_alloc : memref<!tpu.dma_semaphore, #tpu.memory_space<semaphore_mem>>
      %dma_start3A_70 = arith.constant 0 : i32
      %dma_start3A_71 = tpu.memref_slice %arg7[%add3A_64, %dma_start3A_70] : memref<20000x128xf32, #tpu.memory_space<hbm>> -> memref<624x128xf32, #tpu.memory_space<hbm>>
      %dma_start3A_72 = arith.constant 0 : i32
      %dma_start3A_73 = tpu.memref_slice %arg16[%mul3A_59, %dma_start3A_72] : memref<10000x128xf32, #tpu.memory_space<vmem_shared>> -> memref<624x128xf32, #tpu.memory_space<vmem_shared>>
      tpu.enqueue_dma source(%dma_start3A_73 : memref<624x128xf32, #tpu.memory_space<vmem_shared>>) target(%dma_start3A_71 : memref<624x128xf32, #tpu.memory_space<hbm>>) target_semaphore(%run_scoped3A : memref<!tpu.dma_semaphore, #tpu.memory_space<semaphore_mem>>)
      %dma_wait3A_74 = arith.constant 0 : i32
      %dma_wait3A_75 = tpu.memref_slice %arg7[%add3A_64, %dma_wait3A_74] : memref<20000x128xf32, #tpu.memory_space<hbm>> -> memref<624x128xf32, #tpu.memory_space<hbm>>
      %dma_wait3A_76 = arith.constant 0 : i32
      %dma_wait3A_77 = tpu.memref_slice %arg16[%mul3A_59, %dma_wait3A_76] : memref<10000x128xf32, #tpu.memory_space<vmem_shared>> -> memref<624x128xf32, #tpu.memory_space<vmem_shared>>
      tpu.wait_dma2 semaphore(%run_scoped3A : memref<!tpu.dma_semaphore, #tpu.memory_space<semaphore_mem>>) src(%dma_wait3A_77 : memref<624x128xf32, #tpu.memory_space<vmem_shared>>) dst(%dma_wait3A_75 : memref<624x128xf32, #tpu.memory_space<hbm>>)
      tpu.yield
    }) : () -> ()
    %eq3A_65 = arith.constant 15 : i32
    %eq3A_66 = arith.cmpi eq, %arg1, %eq3A_65 : i32
    %convert_element_type3A_67 = arith.extui %eq3A_66 : i1 to i32
    %cond3A_68 = arith.constant 0 : i32
    %cond3A_69 = arith.cmpi ne, %convert_element_type3A_67, %cond3A_68 : i32
    scf.if %cond3A_69 {
      %mul3A_70 = arith.constant 10000 : i32
      %mul3A_71 = arith.muli %arg0, %mul3A_70 : i32
      %add3A_72 = arith.constant 9984 : i32
      %add3A_73 = arith.addi %mul3A_71, %add3A_72 : i32
      "tpu.region"() ({
        %run_scoped3A = tpu.sem_alloc : memref<!tpu.dma_semaphore, #tpu.memory_space<semaphore_mem>>
        %dma_start3A_74 = arith.constant 0 : i32
        %dma_start3A_75 = tpu.memref_slice %arg7[%add3A_73, %dma_start3A_74] : memref<20000x128xf32, #tpu.memory_space<hbm>> -> memref<16x128xf32, #tpu.memory_space<hbm>>
        %dma_start3A_76 = arith.constant 9984 : i32
        %dma_start3A_77 = arith.constant 0 : i32
        %dma_start3A_78 = tpu.memref_slice %arg16[%dma_start3A_76, %dma_start3A_77] : memref<10000x128xf32, #tpu.memory_space<vmem_shared>> -> memref<16x128xf32, #tpu.memory_space<vmem_shared>>
        tpu.enqueue_dma source(%dma_start3A_78 : memref<16x128xf32, #tpu.memory_space<vmem_shared>>) target(%dma_start3A_75 : memref<16x128xf32, #tpu.memory_space<hbm>>) target_semaphore(%run_scoped3A : memref<!tpu.dma_semaphore, #tpu.memory_space<semaphore_mem>>)
        %dma_wait3A_79 = arith.constant 0 : i32
        %dma_wait3A_80 = tpu.memref_slice %arg7[%add3A_73, %dma_wait3A_79] : memref<20000x128xf32, #tpu.memory_space<hbm>> -> memref<16x128xf32, #tpu.memory_space<hbm>>
        %dma_wait3A_81 = arith.constant 9984 : i32
        %dma_wait3A_82 = arith.constant 0 : i32
        %dma_wait3A_83 = tpu.memref_slice %arg16[%dma_wait3A_81, %dma_wait3A_82] : memref<10000x128xf32, #tpu.memory_space<vmem_shared>> -> memref<16x128xf32, #tpu.memory_space<vmem_shared>>
        tpu.wait_dma2 semaphore(%run_scoped3A : memref<!tpu.dma_semaphore, #tpu.memory_space<semaphore_mem>>) src(%dma_wait3A_83 : memref<16x128xf32, #tpu.memory_space<vmem_shared>>) dst(%dma_wait3A_80 : memref<16x128xf32, #tpu.memory_space<hbm>>)
        tpu.yield
      }) : () -> ()
    } else {
    }
    return
  }
}

module attributes {stable_mosaic.version = 14 : i64} {
  func.func @_g_body(%arg0: i32, %arg1: memref<2560x64xf32, #tpu.memory_space<vmem>>, %arg2: memref<64x64xf32, #tpu.memory_space<vmem>>, %arg3: memref<64x64xf32, #tpu.memory_space<vmem>>, %arg4: memref<2560x64xi32, #tpu.memory_space<vmem>>) attributes {dimension_semantics = [#tpu.dimension_semantics<arbitrary>], iteration_bounds = array<i64: 125>, scalar_prefetch = 0 : i64, scratch_operands = 0 : i64, tpu.core_type = #tpu.core_type<tc>, window_params = [{transform_indices = @transform_0, window_bounds = array<i64: 2560, 64>}, {pipeline_mode = #tpu.pipeline_mode<synchronous>, transform_indices = @transform_1, window_bounds = array<i64: 64, 64>}, {pipeline_mode = #tpu.pipeline_mode<synchronous>, transform_indices = @transform_2, window_bounds = array<i64: 64, 64>}, {transform_indices = @transform_3, window_bounds = array<i64: 2560, 64>}]} {
    %get3A = arith.constant 0 : index
    %get3A_0 = arith.constant 0 : index
    %get3A_1 = vector.load %arg1[%get3A, %get3A_0] : memref<2560x64xf32, #tpu.memory_space<vmem>>, vector<2560x64xf32>
    %get3A_2 = arith.constant 0 : index
    %get3A_3 = arith.constant 0 : index
    %get3A_4 = vector.load %arg2[%get3A_2, %get3A_3] : memref<64x64xf32, #tpu.memory_space<vmem>>, vector<64x64xf32>
    %dot_general3A = arith.constant dense<0.000000e+00> : vector<2560x64xf32>
    %dot_general3A_5 = tpu.matmul %get3A_1, %get3A_4, %dot_general3A {dimension_numbers = #tpu.dot_dimension_numbers<[1], [0], [0], [1], [0, 0, 1, 1], [], []>, transpose_lhs_hint = false} : vector<2560x64xf32>, vector<64x64xf32>, vector<2560x64xf32> -> vector<2560x64xf32>
    %get3A_6 = arith.constant 0 : index
    %get3A_7 = arith.constant 0 : index
    %get3A_8 = vector.load %arg3[%get3A_6, %get3A_7] : memref<64x64xf32, #tpu.memory_space<vmem>>, vector<64x64xf32>
    %dot_general3A_9 = arith.constant dense<0.000000e+00> : vector<2560x64xf32>
    %dot_general3A_10 = tpu.matmul %get3A_1, %get3A_8, %dot_general3A_9 {dimension_numbers = #tpu.dot_dimension_numbers<[1], [0], [0], [1], [0, 0, 1, 1], [], []>, transpose_lhs_hint = false} : vector<2560x64xf32>, vector<64x64xf32>, vector<2560x64xf32> -> vector<2560x64xf32>
    %convert_element_type3A = arith.truncf %dot_general3A_5 : vector<2560x64xf32> to vector<2560x64xbf16>
    %bitcast_convert_type3A = tpu.bitcast %convert_element_type3A : vector<2560x64xbf16> -> vector<2560x64xi16>
    %convert_element_type3A_11 = arith.truncf %dot_general3A_10 : vector<2560x64xf32> to vector<2560x64xbf16>
    %bitcast_convert_type3A_12 = tpu.bitcast %convert_element_type3A_11 : vector<2560x64xbf16> -> vector<2560x64xi16>
    %convert_element_type3A_13 = arith.extui %bitcast_convert_type3A_12 : vector<2560x64xi16> to vector<2560x64xi32>
    %shift_left3A = arith.constant 16 : i32
    %shift_left3A_14 = vector.broadcast %shift_left3A : i32 to vector<2560x64xi32>
    %shift_left3A_15 = arith.shli %convert_element_type3A_13, %shift_left3A_14 : vector<2560x64xi32>
    %convert_element_type3A_16 = arith.extui %bitcast_convert_type3A : vector<2560x64xi16> to vector<2560x64xi32>
    %or3A = arith.ori %shift_left3A_15, %convert_element_type3A_16 : vector<2560x64xi32>
    %swap3A = arith.constant 0 : index
    %swap3A_17 = arith.constant 0 : index
    %swap3A_18 = vector.load %arg4[%swap3A, %swap3A_17] : memref<2560x64xi32, #tpu.memory_space<vmem>>, vector<2560x64xi32>
    tpu.vector_store %arg4[%swap3A, %swap3A_17], %or3A {strides = array<i32>} : memref<2560x64xi32, #tpu.memory_space<vmem>>, vector<2560x64xi32>,
    return
  }
  func.func @transform_0(%arg0: i32) -> (i32, i32) {
    %add3A = arith.constant 0 : i32
    %add3A_0 = arith.addi %arg0, %add3A : i32
    %c0_i32 = arith.constant 0 : i32
    %c0_i32_1 = arith.constant 0 : i32
    return %add3A_0, %c0_i32 : i32, i32
  }
  func.func @transform_1(%arg0: i32) -> (i32, i32) {
    %c0_i32 = arith.constant 0 : i32
    %c0_i32_0 = arith.constant 0 : i32
    %c0_i32_1 = arith.constant 0 : i32
    return %c0_i32, %c0_i32_0 : i32, i32
  }
  func.func @transform_2(%arg0: i32) -> (i32, i32) {
    %c0_i32 = arith.constant 0 : i32
    %c0_i32_0 = arith.constant 0 : i32
    %c0_i32_1 = arith.constant 0 : i32
    return %c0_i32, %c0_i32_0 : i32, i32
  }
  func.func @transform_3(%arg0: i32) -> (i32, i32) {
    %c0_i32 = arith.constant 0 : i32
    %c0_i32_0 = arith.constant 0 : i32
    return %arg0, %c0_i32 : i32, i32
  }
}

module attributes {stable_mosaic.version = 14 : i64} {
  func.func @_mm_bias_body(%arg0: i32, %arg1: memref<2000x128xf32, #tpu.memory_space<vmem>>, %arg2: memref<128x128xf32, #tpu.memory_space<vmem>>, %arg3: memref<1x128xf32, #tpu.memory_space<vmem>>, %arg4: memref<2000x128xf32, #tpu.memory_space<vmem>>) attributes {dimension_semantics = [#tpu.dimension_semantics<arbitrary>], iteration_bounds = array<i64: 5>, scalar_prefetch = 0 : i64, scratch_operands = 0 : i64, tpu.core_type = #tpu.core_type<tc>, window_params = [{transform_indices = @transform_0, window_bounds = array<i64: 2000, 128>}, {pipeline_mode = #tpu.pipeline_mode<synchronous>, transform_indices = @transform_1, window_bounds = array<i64: 128, 128>}, {pipeline_mode = #tpu.pipeline_mode<synchronous>, transform_indices = @transform_2, window_bounds = array<i64: 1, 128>}, {transform_indices = @transform_3, window_bounds = array<i64: 2000, 128>}]} {
    %get3A = arith.constant 0 : index
    %get3A_0 = arith.constant 0 : index
    %get3A_1 = vector.load %arg1[%get3A, %get3A_0] : memref<2000x128xf32, #tpu.memory_space<vmem>>, vector<2000x128xf32>
    %get3A_2 = arith.constant 0 : index
    %get3A_3 = arith.constant 0 : index
    %get3A_4 = vector.load %arg2[%get3A_2, %get3A_3] : memref<128x128xf32, #tpu.memory_space<vmem>>, vector<128x128xf32>
    %dot_general3A = arith.constant dense<0.000000e+00> : vector<2000x128xf32>
    %dot_general3A_5 = tpu.matmul %get3A_1, %get3A_4, %dot_general3A {dimension_numbers = #tpu.dot_dimension_numbers<[1], [0], [0], [1], [0, 0, 1, 1], [], []>, transpose_lhs_hint = false} : vector<2000x128xf32>, vector<128x128xf32>, vector<2000x128xf32> -> vector<2000x128xf32>
    %get3A_6 = arith.constant 0 : index
    %get3A_7 = arith.constant 0 : index
    %get3A_8 = vector.load %arg3[%get3A_6, %get3A_7] : memref<1x128xf32, #tpu.memory_space<vmem>>, vector<1x128xf32>
    %add3A = vector.broadcast %get3A_8 : vector<1x128xf32> to vector<2000x128xf32>
    %add3A_9 = arith.addf %dot_general3A_5, %add3A : vector<2000x128xf32>
    %swap3A = arith.constant 0 : index
    %swap3A_10 = arith.constant 0 : index
    %swap3A_11 = vector.load %arg4[%swap3A, %swap3A_10] : memref<2000x128xf32, #tpu.memory_space<vmem>>, vector<2000x128xf32>
    tpu.vector_store %arg4[%swap3A, %swap3A_10], %add3A_9 {strides = array<i32>} : memref<2000x128xf32, #tpu.memory_space<vmem>>, vector<2000x128xf32>,
    return
  }
  func.func @transform_0(%arg0: i32) -> (i32, i32) {
    %c0_i32 = arith.constant 0 : i32
    %c0_i32_0 = arith.constant 0 : i32
    return %arg0, %c0_i32 : i32, i32
  }
  func.func @transform_1(%arg0: i32) -> (i32, i32) {
    %c0_i32 = arith.constant 0 : i32
    %c0_i32_0 = arith.constant 0 : i32
    %c0_i32_1 = arith.constant 0 : i32
    return %c0_i32, %c0_i32_0 : i32, i32
  }
  func.func @transform_2(%arg0: i32) -> (i32, i32) {
    %c0_i32 = arith.constant 0 : i32
    %c0_i32_0 = arith.constant 0 : i32
    %c0_i32_1 = arith.constant 0 : i32
    return %c0_i32, %c0_i32_0 : i32, i32
  }
  func.func @transform_3(%arg0: i32) -> (i32, i32) {
    %c0_i32 = arith.constant 0 : i32
    %c0_i32_0 = arith.constant 0 : i32
    return %arg0, %c0_i32 : i32, i32
  }
}

module attributes {stable_mosaic.version = 14 : i64} {
  func.func @_epi_body(%arg0: i32, %arg1: memref<2000x128xf32, #tpu.memory_space<vmem>>, %arg2: memref<2000x128xf32, #tpu.memory_space<vmem>>, %arg3: memref<2000x128xf32, #tpu.memory_space<vmem>>, %arg4: memref<128x128xf32, #tpu.memory_space<vmem>>, %arg5: memref<1x128xf32, #tpu.memory_space<vmem>>, %arg6: memref<128x128xf32, #tpu.memory_space<vmem>>, %arg7: memref<1x128xf32, #tpu.memory_space<vmem>>, %arg8: memref<128x128xf32, #tpu.memory_space<vmem>>, %arg9: memref<1x128xf32, #tpu.memory_space<vmem>>, %arg10: memref<128x128xf32, #tpu.memory_space<vmem>>, %arg11: memref<1x128xf32, #tpu.memory_space<vmem>>, %arg12: memref<128x128xf32, #tpu.memory_space<vmem>>, %arg13: memref<1x128xf32, #tpu.memory_space<vmem>>, %arg14: memref<128x128xf32, #tpu.memory_space<vmem>>, %arg15: memref<1x128xf32, #tpu.memory_space<vmem>>, %arg16: memref<128x128xf32, #tpu.memory_space<vmem>>, %arg17: memref<1x128xf32, #tpu.memory_space<vmem>>, %arg18: memref<128x128xf32, #tpu.memory_space<vmem>>, %arg19: memref<1x128xf32, #tpu.memory_space<vmem>>, %arg20: memref<128x128xf32, #tpu.memory_space<vmem>>, %arg21: memref<1x128xf32, #tpu.memory_space<vmem>>, %arg22: memref<128x128xf32, #tpu.memory_space<vmem>>, %arg23: memref<1x128xf32, #tpu.memory_space<vmem>>, %arg24: memref<1x128xf32, #tpu.memory_space<vmem>>, %arg25: memref<2000x128xf32, #tpu.memory_space<vmem>>) attributes {dimension_semantics = [#tpu.dimension_semantics<arbitrary>], iteration_bounds = array<i64: 5>, scalar_prefetch = 0 : i64, scratch_operands = 0 : i64, tpu.core_type = #tpu.core_type<tc>, window_params = [{transform_indices = @transform_0, window_bounds = array<i64: 2000, 128>}, {transform_indices = @transform_1, window_bounds = array<i64: 2000, 128>}, {transform_indices = @transform_2, window_bounds = array<i64: 2000, 128>}, {pipeline_mode = #tpu.pipeline_mode<synchronous>, transform_indices = @transform_3, window_bounds = array<i64: 128, 128>}, {pipeline_mode = #tpu.pipeline_mode<synchronous>, transform_indices = @transform_4, window_bounds = array<i64: 1, 128>}, {pipeline_mode = #tpu.pipeline_mode<synchronous>, transform_indices = @transform_5, window_bounds = array<i64: 128, 128>}, {pipeline_mode = #tpu.pipeline_mode<synchronous>, transform_indices = @transform_6, window_bounds = array<i64: 1, 128>}, {pipeline_mode = #tpu.pipeline_mode<synchronous>, transform_indices = @transform_7, window_bounds = array<i64: 128, 128>}, {pipeline_mode = #tpu.pipeline_mode<synchronous>, transform_indices = @transform_8, window_bounds = array<i64: 1, 128>}, {pipeline_mode = #tpu.pipeline_mode<synchronous>, transform_indices = @transform_9, window_bounds = array<i64: 128, 128>}, {pipeline_mode = #tpu.pipeline_mode<synchronous>, transform_indices = @transform_10, window_bounds = array<i64: 1, 128>}, {pipeline_mode = #tpu.pipeline_mode<synchronous>, transform_indices = @transform_11, window_bounds = array<i64: 128, 128>}, {pipeline_mode = #tpu.pipeline_mode<synchronous>, transform_indices = @transform_12, window_bounds = array<i64: 1, 128>}, {pipeline_mode = #tpu.pipeline_mode<synchronous>, transform_indices = @transform_13, window_bounds = array<i64: 128, 128>}, {pipeline_mode = #tpu.pipeline_mode<synchronous>, transform_indices = @transform_14, window_bounds = array<i64: 1, 128>}, {pipeline_mode = #tpu.pipeline_mode<synchronous>, transform_indices = @transform_15, window_bounds = array<i64: 128, 128>}, {pipeline_mode = #tpu.pipeline_mode<synchronous>, transform_indices = @transform_16, window_bounds = array<i64: 1, 128>}, {pipeline_mode = #tpu.pipeline_mode<synchronous>, transform_indices = @transform_17, window_bounds = array<i64: 128, 128>}, {pipeline_mode = #tpu.pipeline_mode<synchronous>, transform_indices = @transform_18, window_bounds = array<i64: 1, 128>}, {pipeline_mode = #tpu.pipeline_mode<synchronous>, transform_indices = @transform_19, window_bounds = array<i64: 128, 128>}, {pipeline_mode = #tpu.pipeline_mode<synchronous>, transform_indices = @transform_20, window_bounds = array<i64: 1, 128>}, {pipeline_mode = #tpu.pipeline_mode<synchronous>, transform_indices = @transform_21, window_bounds = array<i64: 128, 128>}, {pipeline_mode = #tpu.pipeline_mode<synchronous>, transform_indices = @transform_22, window_bounds = array<i64: 1, 128>}, {pipeline_mode = #tpu.pipeline_mode<synchronous>, transform_indices = @transform_23, window_bounds = array<i64: 1, 128>}, {transform_indices = @transform_24, window_bounds = array<i64: 2000, 128>}]} {
    %get3A = arith.constant 0 : index
    %get3A_0 = arith.constant 0 : index
    %get3A_1 = vector.load %arg1[%get3A, %get3A_0] : memref<2000x128xf32, #tpu.memory_space<vmem>>, vector<2000x128xf32>
    %get3A_2 = arith.constant 0 : index
    %get3A_3 = arith.constant 0 : index
    %get3A_4 = vector.load %arg4[%get3A_2, %get3A_3] : memref<128x128xf32, #tpu.memory_space<vmem>>, vector<128x128xf32>
    %dot_general3A = arith.constant dense<0.000000e+00> : vector<2000x128xf32>
    %dot_general3A_5 = tpu.matmul %get3A_1, %get3A_4, %dot_general3A {dimension_numbers = #tpu.dot_dimension_numbers<[1], [0], [0], [1], [0, 0, 1, 1], [], []>, transpose_lhs_hint = false} : vector<2000x128xf32>, vector<128x128xf32>, vector<2000x128xf32> -> vector<2000x128xf32>
    %get3A_6 = arith.constant 0 : index
    %get3A_7 = arith.constant 0 : index
    %get3A_8 = vector.load %arg5[%get3A_6, %get3A_7] : memref<1x128xf32, #tpu.memory_space<vmem>>, vector<1x128xf32>
    %add3A = vector.broadcast %get3A_8 : vector<1x128xf32> to vector<2000x128xf32>
    %add3A_9 = arith.addf %dot_general3A_5, %add3A : vector<2000x128xf32>
    %get3A_10 = arith.constant 0 : index
    %get3A_11 = arith.constant 0 : index
    %get3A_12 = vector.load %arg2[%get3A_10, %get3A_11] : memref<2000x128xf32, #tpu.memory_space<vmem>>, vector<2000x128xf32>
    %add3A_13 = arith.addf %add3A_9, %get3A_12 : vector<2000x128xf32>
    %get3A_14 = arith.constant 0 : index
    %get3A_15 = arith.constant 0 : index
    %get3A_16 = vector.load %arg3[%get3A_14, %get3A_15] : memref<2000x128xf32, #tpu.memory_space<vmem>>, vector<2000x128xf32>
    %add3A_17 = arith.addf %add3A_13, %get3A_16 : vector<2000x128xf32>
    %get3A_18 = arith.constant 0 : index
    %get3A_19 = arith.constant 0 : index
    %get3A_20 = vector.load %arg6[%get3A_18, %get3A_19] : memref<128x128xf32, #tpu.memory_space<vmem>>, vector<128x128xf32>
    %dot_general3A_21 = arith.constant dense<0.000000e+00> : vector<2000x128xf32>
    %dot_general3A_22 = tpu.matmul %add3A_17, %get3A_20, %dot_general3A_21 {dimension_numbers = #tpu.dot_dimension_numbers<[1], [0], [0], [1], [0, 0, 1, 1], [], []>, transpose_lhs_hint = false} : vector<2000x128xf32>, vector<128x128xf32>, vector<2000x128xf32> -> vector<2000x128xf32>
    %get3A_23 = arith.constant 0 : index
    %get3A_24 = arith.constant 0 : index
    %get3A_25 = vector.load %arg7[%get3A_23, %get3A_24] : memref<1x128xf32, #tpu.memory_space<vmem>>, vector<1x128xf32>
    %add3A_26 = vector.broadcast %get3A_25 : vector<1x128xf32> to vector<2000x128xf32>
    %add3A_27 = arith.addf %dot_general3A_22, %add3A_26 : vector<2000x128xf32>
    %get3A_28 = arith.constant 0 : index
    %get3A_29 = arith.constant 0 : index
    %get3A_30 = vector.load %arg8[%get3A_28, %get3A_29] : memref<128x128xf32, #tpu.memory_space<vmem>>, vector<128x128xf32>
    %dot_general3A_31 = arith.constant dense<0.000000e+00> : vector<2000x128xf32>
    %dot_general3A_32 = tpu.matmul %add3A_27, %get3A_30, %dot_general3A_31 {dimension_numbers = #tpu.dot_dimension_numbers<[1], [0], [0], [1], [0, 0, 1, 1], [], []>, transpose_lhs_hint = false} : vector<2000x128xf32>, vector<128x128xf32>, vector<2000x128xf32> -> vector<2000x128xf32>
    %add3A_33 = arith.addf %add3A_17, %dot_general3A_32 : vector<2000x128xf32>
    %get3A_34 = arith.constant 0 : index
    %get3A_35 = arith.constant 0 : index
    %get3A_36 = vector.load %arg9[%get3A_34, %get3A_35] : memref<1x128xf32, #tpu.memory_space<vmem>>, vector<1x128xf32>
    %add3A_37 = vector.broadcast %get3A_36 : vector<1x128xf32> to vector<2000x128xf32>
    %add3A_38 = arith.addf %add3A_33, %add3A_37 : vector<2000x128xf32>
    %get3A_39 = arith.constant 0 : index
    %get3A_40 = arith.constant 0 : index
    %get3A_41 = vector.load %arg10[%get3A_39, %get3A_40] : memref<128x128xf32, #tpu.memory_space<vmem>>, vector<128x128xf32>
    %dot_general3A_42 = arith.constant dense<0.000000e+00> : vector<2000x128xf32>
    %dot_general3A_43 = tpu.matmul %add3A_38, %get3A_41, %dot_general3A_42 {dimension_numbers = #tpu.dot_dimension_numbers<[1], [0], [0], [1], [0, 0, 1, 1], [], []>, transpose_lhs_hint = false} : vector<2000x128xf32>, vector<128x128xf32>, vector<2000x128xf32> -> vector<2000x128xf32>
    %get3A_44 = arith.constant 0 : index
    %get3A_45 = arith.constant 0 : index
    %get3A_46 = vector.load %arg11[%get3A_44, %get3A_45] : memref<1x128xf32, #tpu.memory_space<vmem>>, vector<1x128xf32>
    %add3A_47 = vector.broadcast %get3A_46 : vector<1x128xf32> to vector<2000x128xf32>
    %add3A_48 = arith.addf %dot_general3A_43, %add3A_47 : vector<2000x128xf32>
    %get3A_49 = arith.constant 0 : index
    %get3A_50 = arith.constant 0 : index
    %get3A_51 = vector.load %arg12[%get3A_49, %get3A_50] : memref<128x128xf32, #tpu.memory_space<vmem>>, vector<128x128xf32>
    %dot_general3A_52 = arith.constant dense<0.000000e+00> : vector<2000x128xf32>
    %dot_general3A_53 = tpu.matmul %add3A_48, %get3A_51, %dot_general3A_52 {dimension_numbers = #tpu.dot_dimension_numbers<[1], [0], [0], [1], [0, 0, 1, 1], [], []>, transpose_lhs_hint = false} : vector<2000x128xf32>, vector<128x128xf32>, vector<2000x128xf32> -> vector<2000x128xf32>
    %add3A_54 = arith.addf %add3A_38, %dot_general3A_53 : vector<2000x128xf32>
    %get3A_55 = arith.constant 0 : index
    %get3A_56 = arith.constant 0 : index
    %get3A_57 = vector.load %arg13[%get3A_55, %get3A_56] : memref<1x128xf32, #tpu.memory_space<vmem>>, vector<1x128xf32>
    %add3A_58 = vector.broadcast %get3A_57 : vector<1x128xf32> to vector<2000x128xf32>
    %add3A_59 = arith.addf %add3A_54, %add3A_58 : vector<2000x128xf32>
    %get3A_60 = arith.constant 0 : index
    %get3A_61 = arith.constant 0 : index
    %get3A_62 = vector.load %arg24[%get3A_60, %get3A_61] : memref<1x128xf32, #tpu.memory_space<vmem>>, vector<1x128xf32>
    %mul3A = vector.broadcast %get3A_62 : vector<1x128xf32> to vector<2000x128xf32>
    %mul3A_63 = arith.mulf %mul3A, %get3A_1 : vector<2000x128xf32>
    %get3A_64 = arith.constant 0 : index
    %get3A_65 = arith.constant 0 : index
    %get3A_66 = vector.load %arg22[%get3A_64, %get3A_65] : memref<128x128xf32, #tpu.memory_space<vmem>>, vector<128x128xf32>
    %dot_general3A_67 = arith.constant dense<0.000000e+00> : vector<2000x128xf32>
    %dot_general3A_68 = tpu.matmul %add3A_59, %get3A_66, %dot_general3A_67 {dimension_numbers = #tpu.dot_dimension_numbers<[1], [0], [0], [1], [0, 0, 1, 1], [], []>, transpose_lhs_hint = false} : vector<2000x128xf32>, vector<128x128xf32>, vector<2000x128xf32> -> vector<2000x128xf32>
    %add3A_69 = arith.addf %mul3A_63, %dot_general3A_68 : vector<2000x128xf32>
    %get3A_70 = arith.constant 0 : index
    %get3A_71 = arith.constant 0 : index
    %get3A_72 = vector.load %arg23[%get3A_70, %get3A_71] : memref<1x128xf32, #tpu.memory_space<vmem>>, vector<1x128xf32>
    %add3A_73 = vector.broadcast %get3A_72 : vector<1x128xf32> to vector<2000x128xf32>
    %add3A_74 = arith.addf %add3A_69, %add3A_73 : vector<2000x128xf32>
    %get3A_75 = arith.constant 0 : index
    %get3A_76 = arith.constant 0 : index
    %get3A_77 = vector.load %arg14[%get3A_75, %get3A_76] : memref<128x128xf32, #tpu.memory_space<vmem>>, vector<128x128xf32>
    %dot_general3A_78 = arith.constant dense<0.000000e+00> : vector<2000x128xf32>
    %dot_general3A_79 = tpu.matmul %add3A_74, %get3A_77, %dot_general3A_78 {dimension_numbers = #tpu.dot_dimension_numbers<[1], [0], [0], [1], [0, 0, 1, 1], [], []>, transpose_lhs_hint = false} : vector<2000x128xf32>, vector<128x128xf32>, vector<2000x128xf32> -> vector<2000x128xf32>
    %get3A_80 = arith.constant 0 : index
    %get3A_81 = arith.constant 0 : index
    %get3A_82 = vector.load %arg15[%get3A_80, %get3A_81] : memref<1x128xf32, #tpu.memory_space<vmem>>, vector<1x128xf32>
    %add3A_83 = vector.broadcast %get3A_82 : vector<1x128xf32> to vector<2000x128xf32>
    %add3A_84 = arith.addf %dot_general3A_79, %add3A_83 : vector<2000x128xf32>
    %get3A_85 = arith.constant 0 : index
    %get3A_86 = arith.constant 0 : index
    %get3A_87 = vector.load %arg16[%get3A_85, %get3A_86] : memref<128x128xf32, #tpu.memory_space<vmem>>, vector<128x128xf32>
    %dot_general3A_88 = arith.constant dense<0.000000e+00> : vector<2000x128xf32>
    %dot_general3A_89 = tpu.matmul %add3A_84, %get3A_87, %dot_general3A_88 {dimension_numbers = #tpu.dot_dimension_numbers<[1], [0], [0], [1], [0, 0, 1, 1], [], []>, transpose_lhs_hint = false} : vector<2000x128xf32>, vector<128x128xf32>, vector<2000x128xf32> -> vector<2000x128xf32>
    %add3A_90 = arith.addf %add3A_74, %dot_general3A_89 : vector<2000x128xf32>
    %get3A_91 = arith.constant 0 : index
    %get3A_92 = arith.constant 0 : index
    %get3A_93 = vector.load %arg17[%get3A_91, %get3A_92] : memref<1x128xf32, #tpu.memory_space<vmem>>, vector<1x128xf32>
    %add3A_94 = vector.broadcast %get3A_93 : vector<1x128xf32> to vector<2000x128xf32>
    %add3A_95 = arith.addf %add3A_90, %add3A_94 : vector<2000x128xf32>
    %get3A_96 = arith.constant 0 : index
    %get3A_97 = arith.constant 0 : index
    %get3A_98 = vector.load %arg18[%get3A_96, %get3A_97] : memref<128x128xf32, #tpu.memory_space<vmem>>, vector<128x128xf32>
    %dot_general3A_99 = arith.constant dense<0.000000e+00> : vector<2000x128xf32>
    %dot_general3A_100 = tpu.matmul %add3A_95, %get3A_98, %dot_general3A_99 {dimension_numbers = #tpu.dot_dimension_numbers<[1], [0], [0], [1], [0, 0, 1, 1], [], []>, transpose_lhs_hint = false} : vector<2000x128xf32>, vector<128x128xf32>, vector<2000x128xf32> -> vector<2000x128xf32>
    %get3A_101 = arith.constant 0 : index
    %get3A_102 = arith.constant 0 : index
    %get3A_103 = vector.load %arg19[%get3A_101, %get3A_102] : memref<1x128xf32, #tpu.memory_space<vmem>>, vector<1x128xf32>
    %add3A_104 = vector.broadcast %get3A_103 : vector<1x128xf32> to vector<2000x128xf32>
    %add3A_105 = arith.addf %dot_general3A_100, %add3A_104 : vector<2000x128xf32>
    %get3A_106 = arith.constant 0 : index
    %get3A_107 = arith.constant 0 : index
    %get3A_108 = vector.load %arg20[%get3A_106, %get3A_107] : memref<128x128xf32, #tpu.memory_space<vmem>>, vector<128x128xf32>
    %dot_general3A_109 = arith.constant dense<0.000000e+00> : vector<2000x128xf32>
    %dot_general3A_110 = tpu.matmul %add3A_105, %get3A_108, %dot_general3A_109 {dimension_numbers = #tpu.dot_dimension_numbers<[1], [0], [0], [1], [0, 0, 1, 1], [], []>, transpose_lhs_hint = false} : vector<2000x128xf32>, vector<128x128xf32>, vector<2000x128xf32> -> vector<2000x128xf32>
    %add3A_111 = arith.addf %add3A_95, %dot_general3A_110 : vector<2000x128xf32>
    %get3A_112 = arith.constant 0 : index
    %get3A_113 = arith.constant 0 : index
    %get3A_114 = vector.load %arg21[%get3A_112, %get3A_113] : memref<1x128xf32, #tpu.memory_space<vmem>>, vector<1x128xf32>
    %add3A_115 = vector.broadcast %get3A_114 : vector<1x128xf32> to vector<2000x128xf32>
    %add3A_116 = arith.addf %add3A_111, %add3A_115 : vector<2000x128xf32>
    %swap3A = arith.constant 0 : index
    %swap3A_117 = arith.constant 0 : index
    %swap3A_118 = vector.load %arg25[%swap3A, %swap3A_117] : memref<2000x128xf32, #tpu.memory_space<vmem>>, vector<2000x128xf32>
    tpu.vector_store %arg25[%swap3A, %swap3A_117], %add3A_116 {strides = array<i32>} : memref<2000x128xf32, #tpu.memory_space<vmem>>, vector<2000x128xf32>,
    return
  }
  func.func @transform_0(%arg0: i32) -> (i32, i32) {
    %c0_i32 = arith.constant 0 : i32
    %c0_i32_0 = arith.constant 0 : i32
    return %arg0, %c0_i32 : i32, i32
  }
  func.func @transform_1(%arg0: i32) -> (i32, i32) {
    %c0_i32 = arith.constant 0 : i32
    %c0_i32_0 = arith.constant 0 : i32
    return %arg0, %c0_i32 : i32, i32
  }
  func.func @transform_2(%arg0: i32) -> (i32, i32) {
    %add3A = arith.constant 5 : i32
    %add3A_0 = arith.addi %arg0, %add3A : i32
    %c0_i32 = arith.constant 0 : i32
    %c0_i32_1 = arith.constant 0 : i32
    return %add3A_0, %c0_i32 : i32, i32
  }
  func.func @transform_3(%arg0: i32) -> (i32, i32) {
    %c0_i32 = arith.constant 0 : i32
    %c0_i32_0 = arith.constant 0 : i32
    %c0_i32_1 = arith.constant 0 : i32
    return %c0_i32, %c0_i32_0 : i32, i32
  }
  func.func @transform_4(%arg0: i32) -> (i32, i32) {
    %c0_i32 = arith.constant 0 : i32
    %c0_i32_0 = arith.constant 0 : i32
    %c0_i32_1 = arith.constant 0 : i32
    return %c0_i32, %c0_i32_0 : i32, i32
  }
  func.func @transform_5(%arg0: i32) -> (i32, i32) {
    %c0_i32 = arith.constant 0 : i32
    %c0_i32_0 = arith.constant 0 : i32
    %c0_i32_1 = arith.constant 0 : i32
    return %c0_i32, %c0_i32_0 : i32, i32
  }
  func.func @transform_6(%arg0: i32) -> (i32, i32) {
    %c0_i32 = arith.constant 0 : i32
    %c0_i32_0 = arith.constant 0 : i32
    %c0_i32_1 = arith.constant 0 : i32
    return %c0_i32, %c0_i32_0 : i32, i32
  }
  func.func @transform_7(%arg0: i32) -> (i32, i32) {
    %c0_i32 = arith.constant 0 : i32
    %c0_i32_0 = arith.constant 0 : i32
    %c0_i32_1 = arith.constant 0 : i32
    return %c0_i32, %c0_i32_0 : i32, i32
  }
  func.func @transform_8(%arg0: i32) -> (i32, i32) {
    %c0_i32 = arith.constant 0 : i32
    %c0_i32_0 = arith.constant 0 : i32
    %c0_i32_1 = arith.constant 0 : i32
    return %c0_i32, %c0_i32_0 : i32, i32
  }
  func.func @transform_9(%arg0: i32) -> (i32, i32) {
    %c0_i32 = arith.constant 0 : i32
    %c0_i32_0 = arith.constant 0 : i32
    %c0_i32_1 = arith.constant 0 : i32
    return %c0_i32, %c0_i32_0 : i32, i32
  }
  func.func @transform_10(%arg0: i32) -> (i32, i32) {
    %c0_i32 = arith.constant 0 : i32
    %c0_i32_0 = arith.constant 0 : i32
    %c0_i32_1 = arith.constant 0 : i32
    return %c0_i32, %c0_i32_0 : i32, i32
  }
  func.func @transform_11(%arg0: i32) -> (i32, i32) {
    %c0_i32 = arith.constant 0 : i32
    %c0_i32_0 = arith.constant 0 : i32
    %c0_i32_1 = arith.constant 0 : i32
    return %c0_i32, %c0_i32_0 : i32, i32
  }
  func.func @transform_12(%arg0: i32) -> (i32, i32) {
    %c0_i32 = arith.constant 0 : i32
    %c0_i32_0 = arith.constant 0 : i32
    %c0_i32_1 = arith.constant 0 : i32
    return %c0_i32, %c0_i32_0 : i32, i32
  }
  func.func @transform_13(%arg0: i32) -> (i32, i32) {
    %c0_i32 = arith.constant 0 : i32
    %c0_i32_0 = arith.constant 0 : i32
    %c0_i32_1 = arith.constant 0 : i32
    return %c0_i32, %c0_i32_0 : i32, i32
  }
  func.func @transform_14(%arg0: i32) -> (i32, i32) {
    %c0_i32 = arith.constant 0 : i32
    %c0_i32_0 = arith.constant 0 : i32
    %c0_i32_1 = arith.constant 0 : i32
    return %c0_i32, %c0_i32_0 : i32, i32
  }
  func.func @transform_15(%arg0: i32) -> (i32, i32) {
    %c0_i32 = arith.constant 0 : i32
    %c0_i32_0 = arith.constant 0 : i32
    %c0_i32_1 = arith.constant 0 : i32
    return %c0_i32, %c0_i32_0 : i32, i32
  }
  func.func @transform_16(%arg0: i32) -> (i32, i32) {
    %c0_i32 = arith.constant 0 : i32
    %c0_i32_0 = arith.constant 0 : i32
    %c0_i32_1 = arith.constant 0 : i32
    return %c0_i32, %c0_i32_0 : i32, i32
  }
  func.func @transform_17(%arg0: i32) -> (i32, i32) {
    %c0_i32 = arith.constant 0 : i32
    %c0_i32_0 = arith.constant 0 : i32
    %c0_i32_1 = arith.constant 0 : i32
    return %c0_i32, %c0_i32_0 : i32, i32
  }
  func.func @transform_18(%arg0: i32) -> (i32, i32) {
    %c0_i32 = arith.constant 0 : i32
    %c0_i32_0 = arith.constant 0 : i32
    %c0_i32_1 = arith.constant 0 : i32
    return %c0_i32, %c0_i32_0 : i32, i32
  }
  func.func @transform_19(%arg0: i32) -> (i32, i32) {
    %c0_i32 = arith.constant 0 : i32
    %c0_i32_0 = arith.constant 0 : i32
    %c0_i32_1 = arith.constant 0 : i32
    return %c0_i32, %c0_i32_0 : i32, i32
  }
  func.func @transform_20(%arg0: i32) -> (i32, i32) {
    %c0_i32 = arith.constant 0 : i32
    %c0_i32_0 = arith.constant 0 : i32
    %c0_i32_1 = arith.constant 0 : i32
    return %c0_i32, %c0_i32_0 : i32, i32
  }
  func.func @transform_21(%arg0: i32) -> (i32, i32) {
    %c0_i32 = arith.constant 0 : i32
    %c0_i32_0 = arith.constant 0 : i32
    %c0_i32_1 = arith.constant 0 : i32
    return %c0_i32, %c0_i32_0 : i32, i32
  }
  func.func @transform_22(%arg0: i32) -> (i32, i32) {
    %c0_i32 = arith.constant 0 : i32
    %c0_i32_0 = arith.constant 0 : i32
    %c0_i32_1 = arith.constant 0 : i32
    return %c0_i32, %c0_i32_0 : i32, i32
  }
  func.func @transform_23(%arg0: i32) -> (i32, i32) {
    %c0_i32 = arith.constant 0 : i32
    %c0_i32_0 = arith.constant 0 : i32
    %c0_i32_1 = arith.constant 0 : i32
    return %c0_i32, %c0_i32_0 : i32, i32
  }
  func.func @transform_24(%arg0: i32) -> (i32, i32) {
    %c0_i32 = arith.constant 0 : i32
    %c0_i32_0 = arith.constant 0 : i32
    return %arg0, %c0_i32 : i32, i32
  }
}

</mosaic_0001>

<sc_bundles>
// kernel: kernel.6.cloned.1.call-start
scs
__scs_entry_jumppad:
0x0: {  	(pc) =	sbr.rel $0x88, $3  }
0x1: {  	(tag) =	ssettag $0x0;
	lr =	simm.s32 $0x1  }
0x2: {  	[smem:$0x3F85] =	sst lr;
	_ =	strace $0xD0000000  }
0x3: {  	_ = 	snop  }
0x4: {  	_ = 	snop  }
0x5: {  	_ = 	snop  }
0x6: {  	_ = 	snop  }
0x7: {  	_ = 	snop  }
__scs_overlays_trampoline_lowered:
0x8: {  	[smem:$0x3F94] =	sst s0  }
0x9: {  	[smem:$0x3F95] =	sst s1  }
0xa: {  	[smem:$0x3F96] =	sst s2  }
0xb: {  	[smem:$0x3F97] =	sst s3  }
0xc: {  	[smem:$0x3F98] =	sst s4  }
0xd: {  	[smem:$0x3F99] =	sst s5  }
0xe: {  	[smem:$0x3F9A] =	sst s6  }
0xf: {  	[smem:$0x3F9B] =	sst s7  }
0x10: {  	[smem:$0x3F9C] =	sst s8  }
0x11: {  	[smem:$0x3F9D] =	sst s9;
	s0 =	simm.s32 @!p0 $0x0  }
0x12: {  	s1 =	sld [smem:$0x3F83];
	s0 =	simm.s32 @p0 $0x1  }
0x13: {  	[smem:$0x3F9E] =	sst s0;
	s0 =	simm.s32 @!p1 $0x0  }
0x14: {  	s2 =	sld [smem:$0x3F82];
	s0 =	simm.s32 @p1 $0x1  }
0x15: {  	[smem:$0x3F9F] =	sst s0;
	s0 =	simm.s32 @!p2 $0x0  }
0x16: {  	s3 =	sld [smem:$0x3FDB];
	s0 =	simm.s32 @p2 $0x1  }
0x17: {  	s4 =	simm.s32 $0x1BF5;
	[smem:$0x3FA1] =	sst s0  }
0x18: {  	s0 =	sld [smem:$0x3F84];
	_ =	swait.ge [sflag:s4], $0x0  }
0x19: {  	s7 =	sld [smem:$0x3F85]  }
0x1a: {  	s8 =	sadd.s32 $0xFFFFE003, lr  }
0x1b: {  	s9 =	sadd.s32 $0xFFFFFEF7, lr;
	s5 =	simm.s32 $0xFFFFFFFF;
	p2 =	slt.u32 s8, $0xFFFFF086  }
0x1c: {  	p1 =	slt.u32 s9, $0xF7A;
	s5 =	simm.s32 @!p2 $0x0  }
0x1d: {  	s5 =	simm.s32 @p1 $0x1;
	p0 =	seq.s32 s7, s2  }
0x1e: {  	s7 =	smul.u32 @!p0 $0xF7A, s2;
	p2 =	seq.s32 @!p0 s5, $0x0  }
0x1f: {  	s9 =	smul.u32 $0xF7A, s1;
	s8 =	simm.s32 @!p0 $0x1BF5;
	p2 =	por !p2, p0  }
0x20: {  	[sflag:s8] =	ssyncset.s32 @!p0 $0xFFFFF086;
	s6 =	sadd.s32 @!p0 s3, s7;
	s7 =	simm.s32 @!p0 $0x108  }
0x21: {  	s3 =	sadd.s32 s3, s9;
	s6 =	sadd.s32 @!p0 $0x88, s6;
	s7 =	simm.s32 @p2 $0x1082  }
0x22: {  	[simem:s7], [sflag:s8] =	dma.local @!p0 [hbm:s6], $0xF7A  }
0x23: {  	s9 =	sor.u32 $0xD0000000, s2;
	s6 =	simm.s32 $0x108;
	_ =	swait.ge @!p0 [sflag:s8], $0x0  }
0x24: {  	s3 =	sadd.s32 $0x88, s3;
	s6 =	simm.s32 @!p1 $0x1082;
	[sflag:s4] =	ssyncset.s32 $0xFFFFF086  }
0x25: {  	[simem:s6], [sflag:s4] =	dma.local [hbm:s3], $0xF7A  }
0x26: {  	[smem:$0x3F85] =	sst s1;
	(tag) =	ssettag s2;
	_ =	strace s9  }
0x27: {  	s1 =	sld [smem:$0x3F95]  }
0x28: {  	s2 =	sld [smem:$0x3F96]  }
0x29: {  	s4 =	sld [smem:$0x3F98]  }
0x2a: {  	p0 =	seq.s32 s5, $0x0;
	s5 =	sld [smem:$0x3F99]  }
0x2b: {  	s6 =	sld [smem:$0x3F9A]  }
0x2c: {  	s7 =	sld [smem:$0x3F9B]  }
0x2d: {  	s3 =	simm.s32 $0x108;
	s8 =	sld [smem:$0x3F9C]  }
0x2e: {  	s3 =	simm.s32 @!p0 $0x1082;
	s9 =	sld [smem:$0x3F9D]  }
0x2f: {  	lr =	sadd.s32 s0, s3;
	s0 =	sld [smem:$0x3F94]  }
0x30: {  	s3 =	sld [smem:$0x3F97]  }
0x31: {  	[smem:$0x3FA0] =	sst s10  }
0x32: {  	s10 =	sld [smem:$0x3F9E];
	_ =	sdelay $0x3  }
0x33: {  	p0 =	seq.s32 s10, $0x1;
	s10 =	sld [smem:$0x3FA0];
	_ =	sdelay $0x3  }
0x34: {  	[smem:$0x3FA0] =	sst s10  }
0x35: {  	s10 =	sld [smem:$0x3F9F];
	_ =	sdelay $0x3  }
0x36: {  	p1 =	seq.s32 s10, $0x1;
	s10 =	sld [smem:$0x3FA0];
	_ =	sdelay $0x3  }
0x37: {  	[smem:$0x3FA0] =	sst s10  }
0x38: {  	s10 =	sld [smem:$0x3FA1]  }
0x39: {  	_ = 	snop;
	(pc) =	sbr.ind lr, $3  }
0x3a: {  	_ = 	snop  }
0x3b: {  	_ = 	snop  }
0x3c: {  	p2 =	seq.s32 s10, $0x1;
	s10 =	sld [smem:$0x3FA0]  }
0x3d: {  	_ =	shalt  }
0x3e: {  	_ =	shalt  }
0x3f: {  	_ =	shalt  }
0x40: {  	_ =	shalt  }
0x41: {  	_ =	shalt  }
0x42: {  	_ =	shalt  }
0x43: {  	_ =	shalt  }
0x44: {  	_ =	shalt  }
0x45: {  	_ =	shalt  }
0x46: {  	_ =	shalt  }
0x47: {  	_ =	shalt  }
0x48: {  	_ =	shalt  }
0x49: {  	_ =	shalt  }
0x4a: {  	_ =	shalt  }
0x4b: {  	_ =	shalt  }
0x4c: {  	_ =	shalt  }
0x4d: {  	_ =	shalt  }
0x4e: {  	_ =	shalt  }
0x4f: {  	_ =	shalt  }
0x50: {  	_ =	shalt  }
0x51: {  	_ =	shalt  }
0x52: {  	_ =	shalt  }
0x53: {  	_ =	shalt  }
0x54: {  	_ =	shalt  }
0x55: {  	_ =	shalt  }
0x56: {  	_ =	shalt  }
0x57: {  	_ =	shalt  }
0x58: {  	_ =	shalt  }
0x59: {  	_ =	shalt  }
0x5a: {  	_ =	shalt  }
0x5b: {  	_ =	shalt  }
0x5c: {  	_ =	shalt  }
0x5d: {  	_ =	shalt  }
0x5e: {  	_ =	shalt  }
0x5f: {  	_ =	shalt  }
0x60: {  	_ =	shalt  }
0x61: {  	_ =	shalt  }
0x62: {  	_ =	shalt  }
0x63: {  	_ =	shalt  }
0x64: {  	_ =	shalt  }
0x65: {  	_ =	shalt  }
0x66: {  	_ =	shalt  }
0x67: {  	_ =	shalt  }
0x68: {  	_ =	shalt  }
0x69: {  	_ =	shalt  }
0x6a: {  	_ =	shalt  }
0x6b: {  	_ =	shalt  }
0x6c: {  	_ =	shalt  }
0x6d: {  	_ =	shalt  }
0x6e: {  	_ =	shalt  }
0x6f: {  	_ =	shalt  }
0x70: {  	_ =	shalt  }
0x71: {  	_ =	shalt  }
0x72: {  	_ =	shalt  }
0x73: {  	_ =	shalt  }
0x74: {  	_ =	shalt  }
0x75: {  	_ =	shalt  }
0x76: {  	_ =	shalt  }
0x77: {  	_ =	shalt  }
0x78: {  	_ =	shalt  }
0x79: {  	_ =	shalt  }
0x7a: {  	_ =	shalt  }
0x7b: {  	_ =	shalt  }
0x7c: {  	_ =	shalt  }
0x7d: {  	_ =	shalt  }
0x7e: {  	_ =	shalt  }
0x7f: {  	_ =	shalt  }
0x80: {  	_ =	shalt  }
0x81: {  	_ =	shalt  }
0x82: {  	_ =	shalt  }
0x83: {  	_ =	shalt  }
0x84: {  	_ =	shalt  }
0x85: {  	_ =	shalt  }
0x86: {  	_ =	shalt  }
0x87: {  	_ =	shalt  }
.Lfunc_end0:
.L_simem_size_0:
called_computation_lowered:
.L_overlay_start_0:
0x88: {  	s2 =	sld [smem:$0x3FD9]  }
0x89: {  	s3 =	sld [smem:$0x3FFE];
	_ =	sdelay $0x1  }
0x8a: {  	s1 =	srdreg.scid  }
0x8b: {  	s0 =	sand.u32 $0x1, s1  }
0x8c: {  	s17 =	sshll.u32 s0, $0xA;
	s2 =	sadd.s32 s3, s2  }
0x8d: {  	s2 =	sadd.s32 s2, s17  }
0x8e: {  	[smem:$0x3FAC] =	sst s2  }
0x8f: {  	_ = 	snop  }
0x90: {  	s2 =	sld [smem:$0x3FC7]  }
0x91: {  	s18 =	sld [smem:$0x3FC6]  }
0x92: {  	s4 =	sld [smem:$0x3FD0];
	(tm) =	ssettm $0x1  }
0x93: {  	s5 =	sld [smem:$0x3FFB];
	_ =	sdelay $0x3  }
0x94: {  	_ =	strace s5  }
0x95: {  	s5 =	sld [smem:$0x3FFC];
	_ =	sdelay $0x3  }
0x96: {  	_ =	strace s5  }
0x97: {  	s5 =	sld [smem:$0x3FFD];
	_ =	sdelay $0x3  }
0x98: {  	_ =	strace s5  }
0x99: {  	_ =	strace $0x8FFFFFFF  }
0x9a: {  	s19 =	sld [smem:$0x3FDB];
	_ =	sdelay $0x1  }
0x9b: {  	s6 =	simm.s32 $_scs_section_size  }
0x9c: {  	s7 =	simm.s32 $_size__tile_overlayer_lowered;
	s8 =	simm.s32 $_tile_overlayer_lowered  }
0x9d: {  	s22 =	simm.s32 $0x1BFF;
	s21 =	sshll.u32 s8, $0x1;
	s5 =	sadd.s32 s6, s19  }
0x9e: {  	s9 =	simm.s32 $0x0;
	s20 =	sshll.u32 s7, $0x1;
	s7 =	sadd.s32 s21, s5  }
0x9f: {  	[timem:s9], [sflag:s22] =	dma.local [hbm:s7], s20  }
0xa0: {  	_ =	swait.ge [sflag:s22], s20  }
0xa1: {  	s6 =	ssub.s32 $0x0, s20;
	[sflag:s22] =	ssyncset.done $0x0  }
0xa2: {  	[sflag:s22] =	ssyncadd.s32 s6;
	_ =	sdelay $0x1  }
0xa3: {  	s23 =	simm.s32 $0x1B8B  }
0xa4: {  	_ =	swait.ge [sflag:s23], $0x1  }
0xa5: {  	[sflag:s23] =	ssyncset.done $0x0  }
0xa6: {  	s25 =	simm.s32 $0x1B8E;
	s24 =	sld [smem:$0x3FFE];
	[sflag:s23] =	ssyncadd.s32 $0xFFFFFFFF  }
0xa7: {  	s26 =	simm.s32 $execute0_lowered;
	[smem:$0x3FD2] =	sst s25  }
0xa8: {  	s7 =	sshll.u32 s26, $0x1;
	_ =	strace $0x80000046;
	[dreg:$0x1] =	wrdreg $0xFFFFFFFF  }
0xa9: {  	s28 =	simm.s32 $_size_execute0_lowered;
	s5 =	sadd.s32 s5, s7;
	[dreg:$0x0] =	wrdreg $0x0  }
0xaa: {  	s7 =	sshll.u32 s28, $0x1;
	[dreg:$0x2] =	wrdreg s5  }
0xab: {  	[dreg:$0x3] =	wrdreg s7  }
0xac: {  	[dreg:$0x4] =	wrdreg $0xC0  }
0xad: {  	_ =	task [dreg:s9], $0x5FFFF  }
0xae: {  	[dreg:$0x1] =	wrdreg $0xFFFFFFFF  }
0xaf: {  	[dreg:$0x0] =	wrdreg $0x60  }
0xb0: {  	[dreg:$0x2] =	wrdreg s24  }
0xb1: {  	[dreg:$0x3] =	wrdreg s4  }
0xb2: {  	[dreg:$0x4] =	wrdreg s2  }
0xb3: {  	[dreg:$0x5] =	wrdreg s18  }
0xb4: {  	[dreg:$0x6] =	wrdreg $0xA2000  }
0xb5: {  	[dreg:$0x7] =	wrdreg $0x9  }
0xb6: {  	_ =	task.clear_ibuf [dreg:s9], $0x8FFFF;
	_ =	strace $0x90000046  }
0xb7: {  	s29 =	simm.s32 $0x9;
	_ =	strace $0x80000048  }
0xb8: {  	_ =	swait.ge [sflag:s29], $0x1  }
0xb9: {  	[sflag:s29] =	ssyncadd.s32 $0xFFFFFFFF  }
0xba: {  	_ =	strace $0x90000048  }
0xbb: {  	_ =	sfence  }
0xbc: {  	s30 =	sld [smem:$0x0];
	_ =	sdelay $0x2  }
0xbd: {  	s31 =	sshll.u32 s1, $0xD;
	s1 =	sshrl.u32 s1, $0x2  }
0xbe: {  	s3 =	sand.u32 $0x4000, s31;
	s1 =	sadd.s32 s1, s30  }
0xbf: {  	s0 =	sor.u32 s3, s0;
	s1 =	sshll.u32 s1, $0x11  }
0xc0: {  	s0 =	sor.u32 s1, s0  }
0xc1: {  	s0 =	sadd.s32 $0x8F2B, s0  }
0xc2: {  	[sflag:s0] =	ssyncadd.remote.s32 $0x1  }
0xc3: {  	_ =	sfence.sel $0xFFFF  }
0xc4: {  	[dreg:$0x0] =	wrdreg $0xFFFFFFFF;
	(pc) =	sbr.abs _section_cstart, $3  }
0xc5: {  	[dreg:$0x1] =	wrdreg $0xFFFFFFFF  }
0xc6: {  	_ =	task.clear_ibuf [dreg:s9], $0x2FFFF;
	_ =	strace $0x9FFFFFFF  }
0xc7: {  	(tm) =	ssettm $0x7FFFFFFF  }
tec
execute0_lowered:
.L_overlay_start_1:
0x0: {  	(tag) =	ssettag $0x1  }
0x1: {  	s0 =	rddreg [dreg:$0x0]  }
0x2: {  	s1 =	rddreg [dreg:$0x1]  }
0x3: {  	s2 =	rddreg [dreg:$0x2]  }
0x4: {  	s3 =	rddreg [dreg:$0x3]  }
0x5: {  	s4 =	rddreg [dreg:$0x4];
	s5 =	simm.s32 $0x0;
	s19 =	srdreg.scid  }
0x6: {  	s18 =	stileid.u32;
	s28 =	simm.s32 $0x180;
	s29 =	simm.s32 $0x7A00  }
0x7: {  	s30 =	simm.s32 $0x3;
	s31 =	simm.s32 $0x2;
	[smem:$0x7FF] =	sst s5  }
0x8: {  	s7 =	sadd.s32 $0x4E5A00, s0;
	s6 =	sadd.s32 $0x3A00, s0;
	s10 =	smul.u32 $0x2700, s18  }
0x9: {  	s8 =	sshll.u32 s18, $0x1;
	s11 =	smul.u32 $0x4E000, s18;
	s0 =	sadd.s32 $0x6200, s0  }
0xa: {  	_ =	strace $0x80000047;
	[dreg:$0x6] =	wrdreg s6;
	s6 =	sand.u32 $0x1, s19  }
0xb: {  	s22 =	sshll.u32 s18, $0x6;
	s16 =	sadd.s32 $0x138000, s4;
	s15 =	smul.u32 $0x138800, s6  }
0xc: {  	s9 =	ssub.s32 $0x2, s6;
	s8 =	sor.u32 s6, s8;
	s6 =	smul.u32 $0x27100, s6  }
0xd: {  	p0 =	sne.s32 s18, $0xF;
	s19 =	simm.s32 $0x7;
	s13 =	smul.u32 $0xA, s8  }
0xe: {  	s20 =	sshrl.u32 s11, $0x2;
	s12 =	sshrl.u32 s9, $0x1;
	s21 =	smul.u32 $0x500, s8  }
0xf: {  	s14 =	sadd.s32 s20, s4;
	s12 =	ssub.s32 s9, s12;
	s9 =	sor.u32 $0x1C07, s22  }
0x10: {  	s23 =	sshrl.u32 s15, $0x3;
	s6 =	sadd.s32 s10, s6;
	s14 =	sshrl.u32 s14, $0x3  }
0x11: {  	s15 =	sshrl.u32 @!p0 s16, $0x3;
	s22 =	simm.s32 $0x5200;
	s10 =	simm.s32 $0x4  }
0x12: {  	s17 =	sadd.s32 s3, s13;
	s13 =	sadd.s32 s2, s13;
	[dreg:$0xd] =	wrdreg s15  }
0x13: {  	s11 =	sadd.s32 s7, s21;
	s24 =	sadd.s32 s0, s23;
	[dreg:$0x7] =	wrdreg s17  }
0x14: {  	s0 =	sadd.s32 s0, s6;
	s26 =	smax.u32 s12, $0x1;
	[dreg:$0x8] =	wrdreg s13  }
0x15: {  	s21 =	simm.s32 $0x100;
	s23 =	simm.s32 $0x1;
	[dreg:$0x9] =	wrdreg s11  }
0x16: {  	s6 =	simm.s32 $0x5;
	s12 =	simm.s32 $0x0;
	[dreg:$0xa] =	wrdreg s0  }
0x17: {  	s13 =	sor.u32 $0x40, s8;
	s25 =	sadd.s32 $0x27000, s24;
	[dreg:$0xc] =	wrdreg s26  }
0x18: {  	s17 =	sor.u32 $0x20, s8;
	s24 =	simm.s32 $0x50;
	s26 =	simm.s32 $0x80  }
0x19: {  	s0 =	simm.s32 $0x2A00;
	[dreg:$0xb] =	wrdreg s25;
	s25 =	simm.s32 $0x200  }
.LBB2_1:
0x1a: {  	s8 =	rddreg [dreg:$0x6]  }
0x1b: {  	[spmem:s14], [sflag:s9] =	dma.local [hbm:s8], $0x2700  }
0x1c: {  	_ =	swait.ge [sflag:s19], $0x2700  }
0x1d: {  	[sflag:s19] =	ssyncset.done $0x0  }
0x1e: {  	[sflag:s19] =	ssyncadd.s32 $0xFFFFD900  }
0x1f: {  	[spmem:s15], [sflag:s9] =	dma.local @!p0 [hbm:s8], $0x100  }
0x20: {  	s8 =	simm.s32 @!p0 $0x7  }
0x21: {  	_ =	swait.ge @!p0 [sflag:s8], $0x100  }
0x22: {  	[sflag:s8] =	ssyncset.done @!p0 $0x0  }
0x23: {  	[sflag:s8] =	ssyncadd.s32 @!p0 $0xFFFFFF00  }
0x24: {  	[bflag:$0x0] =	sbarrier.arrive $0xFFFF  }
0x25: {  	s15 =	rddreg [dreg:$0x7]  }
0x26: {  	[tilespmem:s5], [sflag:$0x1] =	stream.linear.gather [hbm4b:s15+s5], $0x50, $0x38;
	[tilespmem:$0x1DA80] =	vst v63  }
0x27: {  	s16 =	rddreg [dreg:$0x8]  }
0x28: {  	[tilespmem:s21], [sflag:$0x1] =	stream.linear.gather [hbm4b:s16+s5], $0x50, $0x38;
	[tilespmem:$0x1DA80] =	vst v63  }
0x29: {  	s18 =	rddreg [dreg:$0x9]  }
0x2a: {  	[tilespmem:s22], [sflag:$0x1] =	stream.linear.gather [hbm4b:s18+s5], $0x2800, $0x38;
	[tilespmem:$0x1DA80] =	vst v63  }
0x2b: {  	_ =	swait.ge [sflag:s23], $0x50  }
0x2c: {  	[sflag:s23] =	ssyncset.done $0x0  }
0x2d: {  	[sflag:s23] =	ssyncadd.s32 $0xFFFFFFB0  }
0x2e: {  	_ =	swait.ge [sflag:s23], $0x50  }
0x2f: {  	[sflag:s23] =	ssyncset.done $0x0  }
0x30: {  	[sflag:s23] =	ssyncadd.s32 $0xFFFFFFB0  }
0x31: {  	_ =	swait.ge [sflag:s23], $0x2800  }
0x32: {  	[sflag:s23] =	ssyncset.done $0x0  }
0x33: {  	s20 =	smov.u32 s14;
	s14 =	simm.s32 $0x0;
	[sflag:s23] =	ssyncadd.s32 $0xFFFFD800  }
0x34: {  	[tilespmem:s25], [sflag:$0x3] =	stream.indirect.gather [hbm4b:s1+s24], $0x80, s5, s24, $0xb8;
	[tilespmem:$0x1DA80] =	vst v63  }
.LBB2_2:
0x35: {  	p1 =	seq.s32 s14, $0x0;
	s15 =	sshll.u32 s14, $0x6  }
0x36: {  	s8 =	simm.s32 @!p1 $0x6;
	s11 =	sor.u32 s17, s15  }
0x37: {  	_ =	swait.ge @!p1 [sflag:s8], $0x2800;
	s16 =	smul.u32 $0xA, s11  }
0x38: {  	[sflag:s8] =	ssyncset.done @!p1 $0x0  }
0x39: {  	[sflag:s8] =	ssyncadd.s32 @!p1 $0xFFFFD800;
	s18 =	sadd.s32 s3, s16  }
0x3a: {  	[tilespmem:s26], [sflag:$0x2] =	stream.linear.gather [hbm4b:s18+s5], $0x50, $0x38;
	[tilespmem:$0x1DA80] =	vst v63  }
0x3b: {  	s11 =	smul.u32 $0x500, s11;
	s18 =	sadd.s32 s2, s16  }
0x3c: {  	[tilespmem:s28], [sflag:$0x2] =	stream.linear.gather [hbm4b:s18+s5], $0x50, $0x38;
	[tilespmem:$0x1DA80] =	vst v63  }
0x3d: {  	s16 =	sadd.s32 s7, s11  }
0x3e: {  	[tilespmem:s29], [sflag:$0x2] =	stream.linear.gather [hbm4b:s16+s5], $0x2800, $0x38;
	[tilespmem:$0x1DA80] =	vst v63  }
0x3f: {  	_ =	swait.ge [sflag:s30], $0x2800  }
0x40: {  	[sflag:s30] =	ssyncset.done $0x0  }
0x41: {  	s18 =	simm.s32 $0x5280;
	[sflag:s30] =	ssyncadd.s32 $0xFFFFD800  }
0x42: {  	s16 =	simm.s32 $0x280;
	v0 =	vld [tilespmem:s18+$0x30]  }
0x43: {  	v1 =	vld [tilespmem:s16+$0x70]  }
0x44: {  	v2 =	vld [tilespmem:s18+$0xFFFFFF90]  }
0x45: {  	v3 =	vld [tilespmem:s18+$0xFFFFFFA0]  }
0x46: {  	v4 =	vld [tilespmem:s18+$0xFFFFFFB0]  }
0x47: {  	v7 =	vld [tilespmem:s18+$0x0]  }
0x48: {  	v8 =	vld [tilespmem:s18+$0x10]  }
0x49: {  	v9 =	vld [tilespmem:s18+$0x20]  }
0x4a: {  	v5 =	vld [tilespmem:s18+$0xFFFFFF80]  }
0x4b: {  	v6 =	vld [tilespmem:s16+$0xFFFFFF80]  }
0x4c: {  	v10 =	vld [tilespmem:s16+$0xFFFFFF90]  }
0x4d: {  	v11 =	vld [tilespmem:s16+$0xFFFFFFA0]  }
0x4e: {  	v13 =	vld [tilespmem:s16+$0xFFFFFFB0];
	v12 =	vand.u32 $0xFFFF0000, v0  }
0x4f: {  	v14 =	vld [tilespmem:s16+$0xFFFFFFC0];
	v58 =	vshll.u32 v5, $0x10;
	v1 =	vmul.f32 v12, v1  }
0x50: {  	v59 =	vld [tilespmem:s16+$0xFFFFFFD0];
	v5 =	vand.u32 $0xFFFF0000, v5;
	v6 =	vmul.f32 v58, v6  }
0x51: {  	v15 =	vshll.u32 v2, $0x10;
	[tilespmem:s16+$0x70] =	vst v1;
	v1 =	vmul.f32 v5, v10;
	v10 =	vld [tilespmem:s16+$0xFFFFFFE0]  }
0x52: {  	v2 =	vand.u32 $0xFFFF0000, v2;
	[tilespmem:s16+$0xFFFFFF80] =	vst v6;
	v5 =	vmul.f32 v15, v11;
	v11 =	vld [tilespmem:s16+$0xFFFFFFF0]  }
0x53: {  	v60 =	vld [tilespmem:s16+$0x0];
	v6 =	vshll.u32 v3, $0x10;
	[tilespmem:s16+$0xFFFFFF90] =	vst v1;
	v1 =	vmul.f32 v2, v13  }
0x54: {  	v61 =	vld [tilespmem:s16+$0x10];
	v2 =	vand.u32 $0xFFFF0000, v3;
	[tilespmem:s16+$0xFFFFFFA0] =	vst v5;
	v3 =	vmul.f32 v6, v14  }
0x55: {  	v6 =	vshll.u32 v4, $0x10;
	v5 =	vld [tilespmem:s16+$0x20];
	[tilespmem:s16+$0xFFFFFFB0] =	vst v1;
	v1 =	vmul.f32 v2, v59  }
0x56: {  	v0 =	vshll.u32 v0, $0x10;
	v2 =	vand.u32 $0xFFFF0000, v4;
	[tilespmem:s16+$0xFFFFFFC0] =	vst v3;
	v10 =	vmul.f32 v6, v10;
	v6 =	vld [tilespmem:s16+$0x30]  }
0x57: {  	v62 =	vshll.u32 v7, $0x10;
	v63 =	vand.u32 $0xFFFF0000, v7;
	v7 =	vld [tilespmem:s16+$0x40];
	v16 =	vmul.f32 v2, v11;
	[tilespmem:s16+$0xFFFFFFD0] =	vst v1  }
0x58: {  	v4 =	vshll.u32 v8, $0x10;
	v3 =	vand.u32 $0xFFFF0000, v8;
	v8 =	vld [tilespmem:s16+$0x50];
	v11 =	vmul.f32 v62, v60;
	[tilespmem:s16+$0xFFFFFFE0] =	vst v10  }
0x59: {  	s8 =	simm.s32 $0x5380;
	s11 =	simm.s32 $0x0;
	s18 =	simm.s32 $0x280;
	v2 =	vshll.u32 v9, $0x10;
	v1 =	vand.u32 $0xFFFF0000, v9;
	v9 =	vld [tilespmem:s16+$0x60];
	[tilespmem:s16+$0xFFFFFFF0] =	vst v16;
	v10 =	vmul.f32 v63, v61  }
.LBB2_3:
0x5a: {  	v12 =	vld [tilespmem:s8+$0x30];
	s11 =	sadd.s32 $0x8, s11;
	[tilespmem:s16+$0x0] =	vst v11;
	v4 =	vmul.f32 v4, v5;
	s18 =	sadd.s32 $0x100, s18  }
0x5b: {  	v5 =	vld [tilespmem:s18+$0x70];
	p1 =	slt.u32 s11, $0x138;
	[tilespmem:s16+$0x10] =	vst v10;
	v3 =	vmul.f32 v3, v6  }
0x5c: {  	v6 =	vld [tilespmem:s8+$0xFFFFFF90];
	[tilespmem:s16+$0x20] =	vst v4;
	v2 =	vmul.f32 v2, v7  }
0x5d: {  	v4 =	vld [tilespmem:s8+$0xFFFFFFA0];
	[tilespmem:s16+$0x30] =	vst v3;
	v1 =	vmul.f32 v1, v8  }
0x5e: {  	v3 =	vld [tilespmem:s8+$0xFFFFFFB0];
	[tilespmem:s16+$0x40] =	vst v2;
	v2 =	vmul.f32 v0, v9  }
0x5f: {  	v7 =	vld [tilespmem:s8+$0x0];
	v0 =	vshll.u32 v12, $0x10;
	v8 =	vand.u32 $0xFFFF0000, v12;
	[tilespmem:s16+$0x50] =	vst v1  }
0x60: {  	v1 =	vld [tilespmem:s8+$0x10];
	v5 =	vmul.f32 v8, v5;
	[tilespmem:s16+$0x60] =	vst v2;
	s16 =	smov.u32 s18  }
0x61: {  	v8 =	vshll.u32 v6, $0x10;
	v6 =	vand.u32 $0xFFFF0000, v6;
	v9 =	vld [tilespmem:s8+$0x20]  }
0x62: {  	v10 =	vld [tilespmem:s8+$0xFFFFFF80];
	v11 =	vshll.u32 v4, $0x10;
	v12 =	vand.u32 $0xFFFF0000, v4;
	[tilespmem:s18+$0x70] =	vst v5  }
0x63: {  	v5 =	vld [tilespmem:s18+$0xFFFFFF80];
	v13 =	vshll.u32 v3, $0x10;
	v14 =	vand.u32 $0xFFFF0000, v3  }
0x64: {  	v15 =	vld [tilespmem:s18+$0xFFFFFF90];
	v16 =	vshll.u32 v7, $0x10;
	v17 =	vand.u32 $0xFFFF0000, v7  }
0x65: {  	v7 =	vld [tilespmem:s18+$0xFFFFFFA0];
	v4 =	vshll.u32 v1, $0x10;
	v3 =	vand.u32 $0xFFFF0000, v1  }
0x66: {  	v18 =	vld [tilespmem:s18+$0xFFFFFFB0];
	v2 =	vshll.u32 v9, $0x10;
	v1 =	vand.u32 $0xFFFF0000, v9  }
0x67: {  	v9 =	vshll.u32 v10, $0x10;
	v10 =	vand.u32 $0xFFFF0000, v10;
	v19 =	vld [tilespmem:s18+$0xFFFFFFC0]  }
0x68: {  	v5 =	vmul.f32 v9, v5;
	v9 =	vld [tilespmem:s18+$0xFFFFFFD0]  }
0x69: {  	v10 =	vmul.f32 v10, v15;
	v15 =	vld [tilespmem:s18+$0xFFFFFFE0]  }
0x6a: {  	[tilespmem:s18+$0xFFFFFF80] =	vst v5;
	v5 =	vmul.f32 v8, v7;
	v7 =	vld [tilespmem:s18+$0xFFFFFFF0]  }
0x6b: {  	[tilespmem:s18+$0xFFFFFF90] =	vst v10;
	v6 =	vmul.f32 v6, v18;
	v8 =	vld [tilespmem:s18+$0x0]  }
0x6c: {  	[tilespmem:s18+$0xFFFFFFA0] =	vst v5;
	v10 =	vmul.f32 v11, v19;
	v18 =	vld [tilespmem:s18+$0x10]  }
.Ltmp0:
0x6d: {  	[tilespmem:s18+$0xFFFFFFB0] =	vst v6;
	v9 =	vmul.f32 v12, v9;
	v5 =	vld [tilespmem:s18+$0x20];
	(pc) =	sbr.rel @p1 .LBB2_3-.Ltmp0, $4  }
0x6e: {  	[tilespmem:s18+$0xFFFFFFC0] =	vst v10;
	v10 =	vmul.f32 v13, v15;
	v6 =	vld [tilespmem:s18+$0x30]  }
0x6f: {  	[tilespmem:s18+$0xFFFFFFD0] =	vst v9;
	v9 =	vmul.f32 v14, v7;
	v7 =	vld [tilespmem:s18+$0x40]  }
0x70: {  	[tilespmem:s18+$0xFFFFFFE0] =	vst v10;
	v11 =	vmul.f32 v16, v8;
	v8 =	vld [tilespmem:s18+$0x50]  }
0x71: {  	s8 =	sadd.s32 $0x100, s8;
	[tilespmem:s18+$0xFFFFFFF0] =	vst v9;
	v10 =	vmul.f32 v17, v18;
	v9 =	vld [tilespmem:s18+$0x60]  }
0x72: {  	[tilespmem:s16+$0x0] =	vst v11;
	v4 =	vmul.f32 v4, v5  }
0x73: {  	[tilespmem:s16+$0x10] =	vst v10;
	v3 =	vmul.f32 v3, v6  }
0x74: {  	[tilespmem:s16+$0x20] =	vst v4;
	v2 =	vmul.f32 v2, v7  }
0x75: {  	[tilespmem:s16+$0x30] =	vst v3;
	v1 =	vmul.f32 v1, v8  }
0x76: {  	[tilespmem:s16+$0x40] =	vst v2;
	v0 =	vmul.f32 v0, v9  }
0x77: {  	[tilespmem:s16+$0x50] =	vst v1  }
0x78: {  	[tilespmem:s16+$0x60] =	vst v0  }
0x79: {  	[spmem:s4] =	stream.indirect.scatter.add.f32 [tilespmem:s25], [sflag:$0x5], $0x80, s21, s24, $0xb8;
	[tilespmem:$0x1DA80] =	vst v63  }
0x7a: {  	_ =	swait.ge [sflag:s31], $0x50  }
0x7b: {  	[sflag:s31] =	ssyncset.done $0x0  }
0x7c: {  	[sflag:s31] =	ssyncadd.s32 $0xFFFFFFB0  }
0x7d: {  	_ =	swait.ge [sflag:s31], $0x50  }
0x7e: {  	[sflag:s31] =	ssyncset.done $0x0  }
0x7f: {  	[sflag:s31] =	ssyncadd.s32 $0xFFFFFFB0  }
0x80: {  	_ =	swait.ge [sflag:s31], $0x2800  }
0x81: {  	[sflag:s31] =	ssyncset.done $0x0  }
0x82: {  	s8 =	sadd.s32 s13, s15;
	[sflag:s31] =	ssyncadd.s32 $0xFFFFD800  }
0x83: {  	[tilespmem:s0], [sflag:$0x4] =	stream.indirect.gather [hbm4b:s1+s24], $0x80, s26, s24, $0xb8;
	[tilespmem:$0x1DA80] =	vst v63  }
0x84: {  	s11 =	smul.u32 $0xA, s8;
	_ =	swait.ge [sflag:s6], $0x2800  }
0x85: {  	[sflag:s6] =	ssyncset.done $0x0  }
0x86: {  	s16 =	sadd.s32 s3, s11;
	[sflag:s6] =	ssyncadd.s32 $0xFFFFD800  }
0x87: {  	[tilespmem:s5], [sflag:$0x1] =	stream.linear.gather [hbm4b:s16+s5], $0x50, $0x38;
	[tilespmem:$0x1DA80] =	vst v63  }
0x88: {  	s8 =	smul.u32 $0x500, s8;
	s11 =	sadd.s32 s2, s11  }
0x89: {  	[tilespmem:s21], [sflag:$0x1] =	stream.linear.gather [hbm4b:s11+s5], $0x50, $0x38;
	[tilespmem:$0x1DA80] =	vst v63  }
0x8a: {  	s8 =	sadd.s32 s7, s8  }
0x8b: {  	[tilespmem:s22], [sflag:$0x1] =	stream.linear.gather [hbm4b:s8+s5], $0x2800, $0x38;
	[tilespmem:$0x1DA80] =	vst v63  }
0x8c: {  	_ =	swait.ge [sflag:s10], $0x2800  }
0x8d: {  	[sflag:s10] =	ssyncset.done $0x0  }
0x8e: {  	s18 =	simm.s32 $0x7A80;
	[sflag:s10] =	ssyncadd.s32 $0xFFFFD800  }
0x8f: {  	s15 =	simm.s32 $0x2A80;
	v0 =	vld [tilespmem:s18+$0x30]  }
0x90: {  	v1 =	vld [tilespmem:s15+$0x70]  }
0x91: {  	v2 =	vld [tilespmem:s18+$0xFFFFFF90]  }
0x92: {  	v3 =	vld [tilespmem:s18+$0xFFFFFFA0]  }
0x93: {  	v4 =	vld [tilespmem:s18+$0xFFFFFFB0]  }
0x94: {  	v7 =	vld [tilespmem:s18+$0x0]  }
0x95: {  	v8 =	vld [tilespmem:s18+$0x10]  }
0x96: {  	v9 =	vld [tilespmem:s18+$0x20]  }
0x97: {  	v5 =	vld [tilespmem:s18+$0xFFFFFF80]  }
0x98: {  	v6 =	vld [tilespmem:s15+$0xFFFFFF80]  }
0x99: {  	v10 =	vld [tilespmem:s15+$0xFFFFFF90]  }
0x9a: {  	v11 =	vld [tilespmem:s15+$0xFFFFFFA0]  }
0x9b: {  	v13 =	vld [tilespmem:s15+$0xFFFFFFB0];
	v12 =	vand.u32 $0xFFFF0000, v0  }
0x9c: {  	v14 =	vld [tilespmem:s15+$0xFFFFFFC0];
	v58 =	vshll.u32 v5, $0x10;
	v1 =	vmul.f32 v12, v1  }
0x9d: {  	v59 =	vld [tilespmem:s15+$0xFFFFFFD0];
	v5 =	vand.u32 $0xFFFF0000, v5;
	v6 =	vmul.f32 v58, v6  }
0x9e: {  	v15 =	vshll.u32 v2, $0x10;
	[tilespmem:s15+$0x70] =	vst v1;
	v1 =	vmul.f32 v5, v10;
	v10 =	vld [tilespmem:s15+$0xFFFFFFE0]  }
0x9f: {  	v2 =	vand.u32 $0xFFFF0000, v2;
	[tilespmem:s15+$0xFFFFFF80] =	vst v6;
	v5 =	vmul.f32 v15, v11;
	v11 =	vld [tilespmem:s15+$0xFFFFFFF0]  }
0xa0: {  	v60 =	vld [tilespmem:s15+$0x0];
	v6 =	vshll.u32 v3, $0x10;
	[tilespmem:s15+$0xFFFFFF90] =	vst v1;
	v1 =	vmul.f32 v2, v13  }
0xa1: {  	v61 =	vld [tilespmem:s15+$0x10];
	v2 =	vand.u32 $0xFFFF0000, v3;
	[tilespmem:s15+$0xFFFFFFA0] =	vst v5;
	v3 =	vmul.f32 v6, v14  }
0xa2: {  	v6 =	vshll.u32 v4, $0x10;
	v5 =	vld [tilespmem:s15+$0x20];
	[tilespmem:s15+$0xFFFFFFB0] =	vst v1;
	v1 =	vmul.f32 v2, v59  }
0xa3: {  	v0 =	vshll.u32 v0, $0x10;
	v2 =	vand.u32 $0xFFFF0000, v4;
	[tilespmem:s15+$0xFFFFFFC0] =	vst v3;
	v10 =	vmul.f32 v6, v10;
	v6 =	vld [tilespmem:s15+$0x30]  }
0xa4: {  	v62 =	vshll.u32 v7, $0x10;
	v63 =	vand.u32 $0xFFFF0000, v7;
	v7 =	vld [tilespmem:s15+$0x40];
	v16 =	vmul.f32 v2, v11;
	[tilespmem:s15+$0xFFFFFFD0] =	vst v1  }
0xa5: {  	v4 =	vshll.u32 v8, $0x10;
	v3 =	vand.u32 $0xFFFF0000, v8;
	v8 =	vld [tilespmem:s15+$0x50];
	v11 =	vmul.f32 v62, v60;
	[tilespmem:s15+$0xFFFFFFE0] =	vst v10  }
0xa6: {  	s16 =	simm.s32 $0x2A80;
	s11 =	simm.s32 $0x0;
	s8 =	simm.s32 $0x7B80;
	v2 =	vshll.u32 v9, $0x10;
	v1 =	vand.u32 $0xFFFF0000, v9;
	v9 =	vld [tilespmem:s15+$0x60];
	[tilespmem:s15+$0xFFFFFFF0] =	vst v16;
	v10 =	vmul.f32 v63, v61  }
.LBB2_5:
0xa7: {  	v12 =	vld [tilespmem:s8+$0x30];
	s11 =	sadd.s32 $0x8, s11;
	[tilespmem:s15+$0x0] =	vst v11;
	v4 =	vmul.f32 v4, v5;
	s16 =	sadd.s32 $0x100, s16  }
0xa8: {  	v5 =	vld [tilespmem:s16+$0x70];
	p1 =	slt.u32 s11, $0x138;
	[tilespmem:s15+$0x10] =	vst v10;
	v3 =	vmul.f32 v3, v6  }
0xa9: {  	v6 =	vld [tilespmem:s8+$0xFFFFFF90];
	[tilespmem:s15+$0x20] =	vst v4;
	v2 =	vmul.f32 v2, v7  }
0xaa: {  	v4 =	vld [tilespmem:s8+$0xFFFFFFA0];
	[tilespmem:s15+$0x30] =	vst v3;
	v1 =	vmul.f32 v1, v8  }
0xab: {  	v3 =	vld [tilespmem:s8+$0xFFFFFFB0];
	[tilespmem:s15+$0x40] =	vst v2;
	v2 =	vmul.f32 v0, v9  }
0xac: {  	v7 =	vld [tilespmem:s8+$0x0];
	v0 =	vshll.u32 v12, $0x10;
	v8 =	vand.u32 $0xFFFF0000, v12;
	[tilespmem:s15+$0x50] =	vst v1  }
0xad: {  	v1 =	vld [tilespmem:s8+$0x10];
	v5 =	vmul.f32 v8, v5;
	[tilespmem:s15+$0x60] =	vst v2;
	s15 =	smov.u32 s16  }
0xae: {  	v8 =	vshll.u32 v6, $0x10;
	v6 =	vand.u32 $0xFFFF0000, v6;
	v9 =	vld [tilespmem:s8+$0x20]  }
0xaf: {  	v10 =	vld [tilespmem:s8+$0xFFFFFF80];
	v11 =	vshll.u32 v4, $0x10;
	v12 =	vand.u32 $0xFFFF0000, v4;
	[tilespmem:s16+$0x70] =	vst v5  }
0xb0: {  	v5 =	vld [tilespmem:s16+$0xFFFFFF80];
	v13 =	vshll.u32 v3, $0x10;
	v14 =	vand.u32 $0xFFFF0000, v3  }
0xb1: {  	v15 =	vld [tilespmem:s16+$0xFFFFFF90];
	v16 =	vshll.u32 v7, $0x10;
	v17 =	vand.u32 $0xFFFF0000, v7  }
0xb2: {  	v7 =	vld [tilespmem:s16+$0xFFFFFFA0];
	v4 =	vshll.u32 v1, $0x10;
	v3 =	vand.u32 $0xFFFF0000, v1  }
0xb3: {  	v18 =	vld [tilespmem:s16+$0xFFFFFFB0];
	v2 =	vshll.u32 v9, $0x10;
	v1 =	vand.u32 $0xFFFF0000, v9  }
0xb4: {  	v9 =	vshll.u32 v10, $0x10;
	v10 =	vand.u32 $0xFFFF0000, v10;
	v19 =	vld [tilespmem:s16+$0xFFFFFFC0]  }
0xb5: {  	v5 =	vmul.f32 v9, v5;
	v9 =	vld [tilespmem:s16+$0xFFFFFFD0]  }
0xb6: {  	v10 =	vmul.f32 v10, v15;
	v15 =	vld [tilespmem:s16+$0xFFFFFFE0]  }
0xb7: {  	[tilespmem:s16+$0xFFFFFF80] =	vst v5;
	v5 =	vmul.f32 v8, v7;
	v7 =	vld [tilespmem:s16+$0xFFFFFFF0]  }
0xb8: {  	[tilespmem:s16+$0xFFFFFF90] =	vst v10;
	v6 =	vmul.f32 v6, v18;
	v8 =	vld [tilespmem:s16+$0x0]  }
0xb9: {  	[tilespmem:s16+$0xFFFFFFA0] =	vst v5;
	v10 =	vmul.f32 v11, v19;
	v18 =	vld [tilespmem:s16+$0x10]  }
.Ltmp1:
0xba: {  	[tilespmem:s16+$0xFFFFFFB0] =	vst v6;
	v9 =	vmul.f32 v12, v9;
	v5 =	vld [tilespmem:s16+$0x20];
	(pc) =	sbr.rel @p1 .LBB2_5-.Ltmp1, $4  }
0xbb: {  	[tilespmem:s16+$0xFFFFFFC0] =	vst v10;
	v10 =	vmul.f32 v13, v15;
	v6 =	vld [tilespmem:s16+$0x30]  }
0xbc: {  	[tilespmem:s16+$0xFFFFFFD0] =	vst v9;
	v9 =	vmul.f32 v14, v7;
	v7 =	vld [tilespmem:s16+$0x40]  }
0xbd: {  	[tilespmem:s16+$0xFFFFFFE0] =	vst v10;
	v11 =	vmul.f32 v16, v8;
	v8 =	vld [tilespmem:s16+$0x50]  }
0xbe: {  	s8 =	sadd.s32 $0x100, s8;
	[tilespmem:s16+$0xFFFFFFF0] =	vst v9;
	v10 =	vmul.f32 v17, v18;
	v9 =	vld [tilespmem:s16+$0x60]  }
0xbf: {  	[tilespmem:s15+$0x0] =	vst v11;
	v4 =	vmul.f32 v4, v5  }
0xc0: {  	[tilespmem:s15+$0x10] =	vst v10;
	v3 =	vmul.f32 v3, v6  }
0xc1: {  	[tilespmem:s15+$0x20] =	vst v4;
	v2 =	vmul.f32 v2, v7  }
0xc2: {  	[tilespmem:s15+$0x30] =	vst v3;
	v1 =	vmul.f32 v1, v8  }
0xc3: {  	[tilespmem:s15+$0x40] =	vst v2;
	v0 =	vmul.f32 v0, v9  }
0xc4: {  	[tilespmem:s15+$0x50] =	vst v1  }
0xc5: {  	[tilespmem:s15+$0x60] =	vst v0  }
0xc6: {  	[spmem:s4] =	stream.indirect.scatter.add.f32 [tilespmem:s0], [sflag:$0x6], $0x80, s28, s24, $0xb8;
	[tilespmem:$0x1DA80] =	vst v63  }
0xc7: {  	_ =	swait.ge [sflag:s23], $0x50  }
0xc8: {  	[sflag:s23] =	ssyncset.done $0x0  }
0xc9: {  	[sflag:s23] =	ssyncadd.s32 $0xFFFFFFB0  }
0xca: {  	s14 =	sadd.s32 $0x1, s14;
	_ =	swait.ge [sflag:s23], $0x50  }
0xcb: {  	p1 =	sne.s32 s14, $0x3E;
	[sflag:s23] =	ssyncset.done $0x0  }
.Ltmp2:
0xcc: {  	[sflag:s23] =	ssyncadd.s32 $0xFFFFFFB0;
	(pc) =	sbr.rel @p1 .LBB2_2-.Ltmp2, $4  }
0xcd: {  	_ =	swait.ge [sflag:s23], $0x2800  }
0xce: {  	[sflag:s23] =	ssyncset.done $0x0  }
0xcf: {  	[sflag:s23] =	ssyncadd.s32 $0xFFFFD800  }
0xd0: {  	[tilespmem:s25], [sflag:$0x3] =	stream.indirect.gather [hbm4b:s1+s24], $0x80, s5, s24, $0xb8;
	[tilespmem:$0x1DA80] =	vst v63  }
0xd1: {  	s8 =	simm.s32 $0x6  }
0xd2: {  	_ =	swait.ge [sflag:s8], $0x2800  }
0xd3: {  	[sflag:s8] =	ssyncset.done $0x0  }
0xd4: {  	[sflag:s8] =	ssyncadd.s32 $0xFFFFD800  }
0xd5: {  	_ =	swait.ge [sflag:s30], $0x2800  }
0xd6: {  	[sflag:s30] =	ssyncset.done $0x0  }
0xd7: {  	s18 =	simm.s32 $0x5280;
	[sflag:s30] =	ssyncadd.s32 $0xFFFFD800  }
0xd8: {  	s14 =	simm.s32 $0x280;
	v0 =	vld [tilespmem:s18+$0x30]  }
0xd9: {  	v1 =	vld [tilespmem:s14+$0x70]  }
0xda: {  	v2 =	vld [tilespmem:s18+$0xFFFFFF90]  }
0xdb: {  	v3 =	vld [tilespmem:s18+$0xFFFFFFA0]  }
0xdc: {  	v4 =	vld [tilespmem:s18+$0xFFFFFFB0]  }
0xdd: {  	v7 =	vld [tilespmem:s18+$0x0]  }
0xde: {  	v8 =	vld [tilespmem:s18+$0x10]  }
0xdf: {  	v9 =	vld [tilespmem:s18+$0x20]  }
0xe0: {  	v5 =	vld [tilespmem:s18+$0xFFFFFF80]  }
0xe1: {  	v6 =	vld [tilespmem:s14+$0xFFFFFF80]  }
0xe2: {  	v10 =	vld [tilespmem:s14+$0xFFFFFF90]  }
0xe3: {  	v11 =	vld [tilespmem:s14+$0xFFFFFFA0]  }
0xe4: {  	v13 =	vld [tilespmem:s14+$0xFFFFFFB0];
	v12 =	vand.u32 $0xFFFF0000, v0  }
0xe5: {  	v14 =	vld [tilespmem:s14+$0xFFFFFFC0];
	v58 =	vshll.u32 v5, $0x10;
	v1 =	vmul.f32 v12, v1  }
0xe6: {  	v59 =	vld [tilespmem:s14+$0xFFFFFFD0];
	v5 =	vand.u32 $0xFFFF0000, v5;
	v6 =	vmul.f32 v58, v6  }
0xe7: {  	v15 =	vshll.u32 v2, $0x10;
	[tilespmem:s14+$0x70] =	vst v1;
	v1 =	vmul.f32 v5, v10;
	v10 =	vld [tilespmem:s14+$0xFFFFFFE0]  }
0xe8: {  	v2 =	vand.u32 $0xFFFF0000, v2;
	[tilespmem:s14+$0xFFFFFF80] =	vst v6;
	v5 =	vmul.f32 v15, v11;
	v11 =	vld [tilespmem:s14+$0xFFFFFFF0]  }
0xe9: {  	v60 =	vld [tilespmem:s14+$0x0];
	v6 =	vshll.u32 v3, $0x10;
	[tilespmem:s14+$0xFFFFFF90] =	vst v1;
	v1 =	vmul.f32 v2, v13  }
0xea: {  	v61 =	vld [tilespmem:s14+$0x10];
	v2 =	vand.u32 $0xFFFF0000, v3;
	[tilespmem:s14+$0xFFFFFFA0] =	vst v5;
	v3 =	vmul.f32 v6, v14  }
0xeb: {  	v6 =	vshll.u32 v4, $0x10;
	v5 =	vld [tilespmem:s14+$0x20];
	[tilespmem:s14+$0xFFFFFFB0] =	vst v1;
	v1 =	vmul.f32 v2, v59  }
0xec: {  	v0 =	vshll.u32 v0, $0x10;
	v2 =	vand.u32 $0xFFFF0000, v4;
	[tilespmem:s14+$0xFFFFFFC0] =	vst v3;
	v10 =	vmul.f32 v6, v10;
	v6 =	vld [tilespmem:s14+$0x30]  }
0xed: {  	v62 =	vshll.u32 v7, $0x10;
	v63 =	vand.u32 $0xFFFF0000, v7;
	v7 =	vld [tilespmem:s14+$0x40];
	v16 =	vmul.f32 v2, v11;
	[tilespmem:s14+$0xFFFFFFD0] =	vst v1  }
0xee: {  	v4 =	vshll.u32 v8, $0x10;
	v3 =	vand.u32 $0xFFFF0000, v8;
	v8 =	vld [tilespmem:s14+$0x50];
	v11 =	vmul.f32 v62, v60;
	[tilespmem:s14+$0xFFFFFFE0] =	vst v10  }
0xef: {  	s11 =	simm.s32 $0x0;
	s15 =	simm.s32 $0x280;
	s8 =	simm.s32 $0x5380;
	v2 =	vshll.u32 v9, $0x10;
	v1 =	vand.u32 $0xFFFF0000, v9;
	v9 =	vld [tilespmem:s14+$0x60];
	[tilespmem:s14+$0xFFFFFFF0] =	vst v16;
	v10 =	vmul.f32 v63, v61  }
.LBB2_8:
0xf0: {  	v12 =	vld [tilespmem:s8+$0x30];
	s11 =	sadd.s32 $0x8, s11;
	[tilespmem:s14+$0x0] =	vst v11;
	v4 =	vmul.f32 v4, v5;
	s15 =	sadd.s32 $0x100, s15  }
0xf1: {  	v5 =	vld [tilespmem:s15+$0x70];
	p1 =	slt.u32 s11, $0x138;
	[tilespmem:s14+$0x10] =	vst v10;
	v3 =	vmul.f32 v3, v6  }
0xf2: {  	v6 =	vld [tilespmem:s8+$0xFFFFFF90];
	[tilespmem:s14+$0x20] =	vst v4;
	v2 =	vmul.f32 v2, v7  }
0xf3: {  	v4 =	vld [tilespmem:s8+$0xFFFFFFA0];
	[tilespmem:s14+$0x30] =	vst v3;
	v1 =	vmul.f32 v1, v8  }
0xf4: {  	v3 =	vld [tilespmem:s8+$0xFFFFFFB0];
	[tilespmem:s14+$0x40] =	vst v2;
	v2 =	vmul.f32 v0, v9  }
0xf5: {  	v7 =	vld [tilespmem:s8+$0x0];
	v0 =	vshll.u32 v12, $0x10;
	v8 =	vand.u32 $0xFFFF0000, v12;
	[tilespmem:s14+$0x50] =	vst v1  }
0xf6: {  	v1 =	vld [tilespmem:s8+$0x10];
	v5 =	vmul.f32 v8, v5;
	[tilespmem:s14+$0x60] =	vst v2;
	s14 =	smov.u32 s15  }
0xf7: {  	v8 =	vshll.u32 v6, $0x10;
	v6 =	vand.u32 $0xFFFF0000, v6;
	v9 =	vld [tilespmem:s8+$0x20]  }
0xf8: {  	v10 =	vld [tilespmem:s8+$0xFFFFFF80];
	v11 =	vshll.u32 v4, $0x10;
	v12 =	vand.u32 $0xFFFF0000, v4;
	[tilespmem:s15+$0x70] =	vst v5  }
0xf9: {  	v5 =	vld [tilespmem:s15+$0xFFFFFF80];
	v13 =	vshll.u32 v3, $0x10;
	v14 =	vand.u32 $0xFFFF0000, v3  }
0xfa: {  	v15 =	vld [tilespmem:s15+$0xFFFFFF90];
	v16 =	vshll.u32 v7, $0x10;
	v17 =	vand.u32 $0xFFFF0000, v7  }
0xfb: {  	v7 =	vld [tilespmem:s15+$0xFFFFFFA0];
	v4 =	vshll.u32 v1, $0x10;
	v3 =	vand.u32 $0xFFFF0000, v1  }
0xfc: {  	v18 =	vld [tilespmem:s15+$0xFFFFFFB0];
	v2 =	vshll.u32 v9, $0x10;
	v1 =	vand.u32 $0xFFFF0000, v9  }
0xfd: {  	v9 =	vshll.u32 v10, $0x10;
	v10 =	vand.u32 $0xFFFF0000, v10;
	v19 =	vld [tilespmem:s15+$0xFFFFFFC0]  }
0xfe: {  	v5 =	vmul.f32 v9, v5;
	v9 =	vld [tilespmem:s15+$0xFFFFFFD0]  }
0xff: {  	v10 =	vmul.f32 v10, v15;
	v15 =	vld [tilespmem:s15+$0xFFFFFFE0]  }
0x100: {  	[tilespmem:s15+$0xFFFFFF80] =	vst v5;
	v5 =	vmul.f32 v8, v7;
	v7 =	vld [tilespmem:s15+$0xFFFFFFF0]  }
0x101: {  	[tilespmem:s15+$0xFFFFFF90] =	vst v10;
	v6 =	vmul.f32 v6, v18;
	v8 =	vld [tilespmem:s15+$0x0]  }
0x102: {  	[tilespmem:s15+$0xFFFFFFA0] =	vst v5;
	v10 =	vmul.f32 v11, v19;
	v18 =	vld [tilespmem:s15+$0x10]  }
.Ltmp3:
0x103: {  	[tilespmem:s15+$0xFFFFFFB0] =	vst v6;
	v9 =	vmul.f32 v12, v9;
	v5 =	vld [tilespmem:s15+$0x20];
	(pc) =	sbr.rel @p1 .LBB2_8-.Ltmp3, $4  }
0x104: {  	[tilespmem:s15+$0xFFFFFFC0] =	vst v10;
	v10 =	vmul.f32 v13, v15;
	v6 =	vld [tilespmem:s15+$0x30]  }
0x105: {  	[tilespmem:s15+$0xFFFFFFD0] =	vst v9;
	v9 =	vmul.f32 v14, v7;
	v7 =	vld [tilespmem:s15+$0x40]  }
0x106: {  	[tilespmem:s15+$0xFFFFFFE0] =	vst v10;
	v11 =	vmul.f32 v16, v8;
	v8 =	vld [tilespmem:s15+$0x50]  }
0x107: {  	s8 =	sadd.s32 $0x100, s8;
	[tilespmem:s15+$0xFFFFFFF0] =	vst v9;
	v10 =	vmul.f32 v17, v18;
	v9 =	vld [tilespmem:s15+$0x60]  }
0x108: {  	[tilespmem:s14+$0x0] =	vst v11;
	v4 =	vmul.f32 v4, v5  }
0x109: {  	[tilespmem:s14+$0x10] =	vst v10;
	v3 =	vmul.f32 v3, v6  }
0x10a: {  	[tilespmem:s14+$0x20] =	vst v4;
	v2 =	vmul.f32 v2, v7  }
0x10b: {  	[tilespmem:s14+$0x30] =	vst v3;
	v1 =	vmul.f32 v1, v8  }
0x10c: {  	[tilespmem:s14+$0x40] =	vst v2;
	v0 =	vmul.f32 v0, v9  }
0x10d: {  	[tilespmem:s14+$0x50] =	vst v1  }
0x10e: {  	[tilespmem:s14+$0x60] =	vst v0  }
0x10f: {  	[spmem:s4] =	stream.indirect.scatter.add.f32 [tilespmem:s25], [sflag:$0x5], $0x80, s21, s24, $0xb8;
	[tilespmem:$0x1DA80] =	vst v63  }
0x110: {  	_ =	swait.ge [sflag:s6], $0x2800  }
0x111: {  	[sflag:s6] =	ssyncset.done $0x0  }
0x112: {  	[sflag:s6] =	ssyncadd.s32 $0xFFFFD800  }
0x113: {  	[bflag:$0x0] =	sbarrier.arrive $0xFFFF  }
0x114: {  	s8 =	rddreg [dreg:$0xa]  }
0x115: {  	[hbm:s8], [sflag:s9] =	dma.local [spmem:s20], $0x2700  }
0x116: {  	_ =	swait.ge [sflag:s19], $0x2700  }
0x117: {  	[sflag:s19] =	ssyncset.done $0x0;
	s8 =	rddreg [dreg:$0xb]  }
0x118: {  	s15 =	rddreg [dreg:$0xd];
	[sflag:s19] =	ssyncadd.s32 $0xFFFFD900  }
0x119: {  	[hbm:s8], [sflag:s9] =	dma.local @!p0 [spmem:s15], $0x100  }
0x11a: {  	s8 =	simm.s32 @!p0 $0x7  }
0x11b: {  	_ =	swait.ge @!p0 [sflag:s8], $0x100  }
0x11c: {  	s12 =	sadd.s32 $0x1, s12;
	s11 =	rddreg [dreg:$0xc]  }
0x11d: {  	p1 =	sne.s32 s12, s11  }
.Ltmp4:
0x11e: {  	_ = 	snop;
	(pc) =	sbr.rel @p1 .LBB2_1-.Ltmp4, $3  }
0x11f: {  	_ =	sdelay $0x1  }
0x120: {  	[sflag:s8] =	ssyncset.done @!p0 $0x0  }
0x121: {  	s14 =	smov.u32 s20;
	[sflag:s8] =	ssyncadd.s32 @!p0 $0xFFFFFF00  }
0x122: {  	_ =	sfence.sel $0x180000  }
0x123: {  	[bflag:$0x0] =	sbarrier.arrive $0xFFFF  }
0x124: {  	_ =	strace $0x90000047  }
0x125: {  	s0 =	stileid.u32;
	[bflag:$0x2] =	sbarrier.arrive $0xFFFF  }
0x126: {  	p0 =	sne.s32 s0, $0x0;
	s0 =	rddreg [dreg:$0x5]  }
0x127: {  	s0 =	sadd.s32 @!p0 $0x100000, s0  }
0x128: {  	[sflag:s0] =	ssyncadd.tile.s32 @!p0 $0x1;
	_ =	shalt  }
.Lfunc_end2:
_tile_overlayer_lowered:
.L_overlay_start_2:
0x129: {  	(tag) =	ssettag $0x2  }
0x12a: {  	s0 =	rddreg [dreg:$0x0];
	s2 =	stileid.u32  }
0x12b: {  	s1 =	rddreg [dreg:$0x1];
	p0 =	sne.s32 s2, $0x0  }
0x12c: {  	s3 =	rddreg [dreg:$0x2];
	[bflag:$0x3] =	sbarrier.arrive $0xFFFF;
	s2 =	simm.s32 @!p0 $0x1C07  }
0x12d: {  	[timem:s3], [sflag:s2] =	dma.local @!p0 [hbm:s0], s1  }
0x12e: {  	s0 =	simm.s32 @!p0 $0x7  }
0x12f: {  	_ =	swait.ge @!p0 [sflag:s0], s1  }
0x130: {  	s1 =	ssub.s32 @!p0 $0x0, s1;
	[sflag:s0] =	ssyncset.done @!p0 $0x0  }
0x131: {  	[sflag:s0] =	ssyncadd.s32 @!p0 s1  }
0x132: {  	[bflag:$0x3] =	sbarrier.arrive $0xFFFF  }
0x133: {  	_ =	shalt  }

</sc_bundles>
